<compile_context>
chip_gen: v7x
topology: tpu7x:2x2x1
jax: 0.10.2.dev20260603
libtpu: 0.0.44.dev20260713+nightly
codegen_flags: <defaults>
</compile_context>

<pallas_src>
import jax
import jax.numpy as jnp
from jax import lax
from jax.experimental import pallas as pl
from jax.experimental.pallas import tpu as pltpu
from jax.experimental.pallas import tpu_sc as plsc

_VOCAB = 1000000
_EMBED = 64
_MAXLEN = 200
_BATCH = 4096

_L = 16
_NW = 32
_EC = _EMBED // _L
_SEQ_PER_W = _BATCH // _NW
_CS = 2
_ROWS = _CS * _MAXLEN
_NCH = _SEQ_PER_W // _CS
_GSPLITS = ((0, 128), (128, 128), (256, 128), (384, 16))
_IDX_VREGS = _ROWS // _L


def _emb_body(seq_hbm, tok_hbm, pos_hbm, out_hbm, idx_v, rows_v, pos_v, sem):
    wid = lax.axis_index("s") * 2 + lax.axis_index("c")
    row0 = wid * (_SEQ_PER_W * _MAXLEN)

    pltpu.sync_copy(pos_hbm, pos_v)

    @pl.loop(0, _NCH)
    def _chunk(g):
        base = row0 + g * _ROWS
        pltpu.sync_copy(seq_hbm.at[pl.ds(base, _ROWS)], idx_v)

        cps = [
            pltpu.async_copy(
                tok_hbm.at[idx_v.at[pl.ds(off, num)]],
                rows_v.at[pl.ds(off, num)],
                sem,
            )
            for off, num in _GSPLITS
        ]
        for cp in cps:
            cp.wait()

        @pl.loop(0, _IDX_VREGS)
        def _fix(m):
            v = idx_v[pl.ds(m * _L, _L)]
            mask = v == 0
            nzero = jnp.sum(jnp.where(mask, 1, 0))

            @pl.when(nzero > 0)
            def _():
                rows = lax.iota(jnp.int32, _L)
                zeros = jnp.zeros((_L,), jnp.float32)
                tile = rows_v.at[pl.ds(m * _L, _L), :]
                for col in range(_EMBED):
                    plsc.store_scatter(
                        tile,
                        [rows, jnp.full((_L,), col, jnp.int32)],
                        zeros,
                        mask=mask,
                    )

        @pl.loop(0, _MAXLEN)
        def _add(l):
            for s in range(_CS):
                r = s * _MAXLEN + l
                for c in range(_EC):
                    plsc.addupdate(
                        rows_v.at[r, pl.ds(c * _L, _L)],
                        pos_v[l, pl.ds(c * _L, _L)],
                    )

        pltpu.sync_copy(rows_v, out_hbm.at[pl.ds(base, _ROWS)])


@jax.jit
def _emb_call(seq_flat, tok_table, pos_table):
    return pl.kernel(
        _emb_body,
        out_type=jax.ShapeDtypeStruct((_BATCH * _MAXLEN, _EMBED), jnp.float32),
        mesh=plsc.VectorSubcoreMesh(core_axis_name="c", subcore_axis_name="s"),
        compiler_params=pltpu.CompilerParams(
            use_tc_tiling_on_sc=False, needs_layout_passes=False
        ),
        scratch_types=[
            pltpu.VMEM((_ROWS,), jnp.int32),
            pltpu.VMEM((_ROWS, _EMBED), jnp.float32),
            pltpu.VMEM((_MAXLEN, _EMBED), jnp.float32),
            pltpu.SemaphoreType.DMA,
        ],
    )(seq_flat, tok_table, pos_table)


def kernel(sequence, token_table, pos_table):
    seq_flat = sequence.reshape(_BATCH * _MAXLEN)
    out = _emb_call(seq_flat, token_table, pos_table)
    return out.reshape(_BATCH, _MAXLEN, _EMBED)

# --- scband reference (transcript-rebuilt; emitter-appended) ---
"""Pipeline reference for scband-bertembedding-36644660969488 (READ-ONLY COPY).

The authoritative reference and input builder live on the scoring server;
editing this copy changes nothing except your own understanding.
"""

import jax, jax.numpy as jnp
import numpy as np

VOCAB = 1000000
EMBED = 64
MAXLEN = 200
BATCH = 4096


def setup_inputs(seed: int = 0) -> dict:
    key = jax.random.key(seed)
    k1, k2, k3 = jax.random.split(key, 3)
    sequence = jax.random.randint(k1, (BATCH, MAXLEN), 0, VOCAB, dtype=jnp.int32)
    token_table = jax.random.normal(k2, (VOCAB, EMBED), dtype=jnp.float32)
    pos_table = jax.random.normal(k3, (MAXLEN, EMBED), dtype=jnp.float32)
    return {"sequence": sequence, "token_table": token_table, "pos_table": pos_table}


def reference(sequence, token_table, pos_table):
    # TokenEmbedding: nn.Embedding(vocab, embed, padding_idx=0) -> row 0 is zero
    tt = token_table.at[0].set(0.0)
    tok = jnp.take(tt, sequence, axis=0)  # [B, L, E] gather
    # PositionalEmbedding: pe.weight.unsqueeze(0).repeat(B, 1, 1)
    pos = jnp.broadcast_to(pos_table[None, :, :], (sequence.shape[0], MAXLEN, EMBED))
    # dropout is identity in eval mode
    return tok + pos

if __name__ == "__main__":
    import jax
    _d = setup_inputs()
    print(jax.jit(kernel)(*tuple(_d.values())))

</pallas_src>

<mosaic_0001>
#map = affine_map<(d0, d1) -> (0)>
#map1 = affine_map<(d0, d1) -> (0, 0)>
module attributes {stable_mosaic.version = 14 : i64} {
  func.func @_emb_body(%arg0: i32, %arg1: i32, %arg2: memref<819200xi32, #tpu.memory_space<hbm>>, %arg3: memref<1000000x64xf32, #tpu.memory_space<hbm>>, %arg4: memref<200x64xf32, #tpu.memory_space<hbm>>, %arg5: memref<819200x64xf32, #tpu.memory_space<hbm>>, %arg6: memref<400xi32, #tpu.memory_space<vmem>>, %arg7: memref<400x64xf32, #tpu.memory_space<vmem>>, %arg8: memref<200x64xf32, #tpu.memory_space<vmem>>, %arg9: memref<!tpu.dma_semaphore, #tpu.memory_space<semaphore_mem>>) attributes {dimension_semantics = [#tpu.dimension_semantics<core_parallel>, #tpu.dimension_semantics<subcore_parallel>], iteration_bounds = array<i64: 2, 16>, scalar_prefetch = 0 : i64, scratch_operands = 4 : i64, tpu.core_type = #tpu.core_type<sc_vector_subcore>, window_params = [{transform_indices = #map}, {transform_indices = #map1}, {transform_indices = #map1}, {transform_indices = #map1}]} {
    %mul3A = arith.constant 2 : i32
    %mul3A_0 = arith.muli %arg1, %mul3A : i32
    %add3A = arith.addi %mul3A_0, %arg0 : i32
    %mul3A_1 = arith.constant 25600 : i32
    %mul3A_2 = arith.muli %add3A, %mul3A_1 : i32
    "tpu.region"() ({
      %run_scoped3A = tpu.sem_alloc : memref<!tpu.dma_semaphore, #tpu.memory_space<semaphore_mem>>
      tpu.enqueue_dma source(%arg4 : memref<200x64xf32, #tpu.memory_space<hbm>>) target(%arg8 : memref<200x64xf32, #tpu.memory_space<vmem>>) target_semaphore(%run_scoped3A : memref<!tpu.dma_semaphore, #tpu.memory_space<semaphore_mem>>)
      tpu.wait_dma2 semaphore(%run_scoped3A : memref<!tpu.dma_semaphore, #tpu.memory_space<semaphore_mem>>) src(%arg4 : memref<200x64xf32, #tpu.memory_space<hbm>>) dst(%arg8 : memref<200x64xf32, #tpu.memory_space<vmem>>)
      tpu.yield
    }) : () -> ()
    %scan3A = arith.constant 0 : i32
    %scan3A_3 = arith.constant 64 : i32
    %scan3A_4 = arith.addi %scan3A, %scan3A_3 : i32
    %scan3A_5 = arith.constant 1 : i32
    scf.for %scan3A_7 = %scan3A to %scan3A_4 step %scan3A_5  : i32 {
      %mul3A_8 = arith.constant 1 : i32
      %mul3A_9 = arith.muli %scan3A_7, %mul3A_8 : i32
      %add3A_10 = arith.constant 0 : i32
      %add3A_11 = arith.addi %add3A_10, %mul3A_9 : i32
      %mul3A_12 = arith.constant 400 : i32
      %mul3A_13 = arith.muli %add3A_11, %mul3A_12 : i32
      %add3A_14 = arith.addi %mul3A_2, %mul3A_13 : i32
      "tpu.region"() ({
        %run_scoped3A = tpu.sem_alloc : memref<!tpu.dma_semaphore, #tpu.memory_space<semaphore_mem>>
        %dma_start3A_87 = tpu.memref_slice %arg2[%add3A_14] : memref<819200xi32, #tpu.memory_space<hbm>> -> memref<400xi32, #tpu.memory_space<hbm>>
        %dma_start3A_88 = tpu.memref_slice %arg2[%add3A_14] : memref<819200xi32, #tpu.memory_space<hbm>> -> memref<400xi32, #tpu.memory_space<hbm>>
        tpu.enqueue_dma source(%dma_start3A_88 : memref<400xi32, #tpu.memory_space<hbm>>) target(%arg6 : memref<400xi32, #tpu.memory_space<vmem>>) target_semaphore(%run_scoped3A : memref<!tpu.dma_semaphore, #tpu.memory_space<semaphore_mem>>)
        %dma_wait3A_89 = tpu.memref_slice %arg2[%add3A_14] : memref<819200xi32, #tpu.memory_space<hbm>> -> memref<400xi32, #tpu.memory_space<hbm>>
        %dma_wait3A_90 = tpu.memref_slice %arg2[%add3A_14] : memref<819200xi32, #tpu.memory_space<hbm>> -> memref<400xi32, #tpu.memory_space<hbm>>
        tpu.wait_dma2 semaphore(%run_scoped3A : memref<!tpu.dma_semaphore, #tpu.memory_space<semaphore_mem>>) src(%dma_wait3A_90 : memref<400xi32, #tpu.memory_space<hbm>>) dst(%arg6 : memref<400xi32, #tpu.memory_space<vmem>>)
        tpu.yield
      }) : () -> ()
      %dma_start3A = arith.constant 0 : i32
      %dma_start3A_15 = arith.constant 0 : i32
      %dma_start3A_16 = tpu.memref_slice %arg7[%dma_start3A, %dma_start3A_15] : memref<400x64xf32, #tpu.memory_space<vmem>> -> memref<128x64xf32, #tpu.memory_space<vmem>>
      %dma_start3A_17 = arith.constant 0 : i32
      %dma_start3A_18 = tpu.memref_slice %arg6[%dma_start3A_17] : memref<400xi32, #tpu.memory_space<vmem>> -> memref<128xi32, #tpu.memory_space<vmem>>
      %dma_start3A_19 = arith.constant 0 : i32
      %dma_start3A_20 = arith.constant 0 : i32
      %dma_start3A_21 = tpu.memref_slice %arg3[%dma_start3A_19, %dma_start3A_20] : memref<1000000x64xf32, #tpu.memory_space<hbm>> -> memref<1000000x64xf32, #tpu.memory_space<hbm>>
      tpu.enqueue_indirect_dma source(%dma_start3A_21 : memref<1000000x64xf32, #tpu.memory_space<hbm>>) target(%dma_start3A_16 : memref<128x64xf32, #tpu.memory_space<vmem>>) offsets(%dma_start3A_18 : memref<128xi32, #tpu.memory_space<vmem>>) semaphore(%arg9 : memref<!tpu.dma_semaphore, #tpu.memory_space<semaphore_mem>>)
      %dma_start3A_22 = arith.constant 128 : i32
      %dma_start3A_23 = arith.constant 0 : i32
      %dma_start3A_24 = tpu.memref_slice %arg7[%dma_start3A_22, %dma_start3A_23] : memref<400x64xf32, #tpu.memory_space<vmem>> -> memref<128x64xf32, #tpu.memory_space<vmem>>
      %dma_start3A_25 = arith.constant 128 : i32
      %dma_start3A_26 = tpu.memref_slice %arg6[%dma_start3A_25] : memref<400xi32, #tpu.memory_space<vmem>> -> memref<128xi32, #tpu.memory_space<vmem>>
      %dma_start3A_27 = arith.constant 0 : i32
      %dma_start3A_28 = arith.constant 0 : i32
      %dma_start3A_29 = tpu.memref_slice %arg3[%dma_start3A_27, %dma_start3A_28] : memref<1000000x64xf32, #tpu.memory_space<hbm>> -> memref<1000000x64xf32, #tpu.memory_space<hbm>>
      tpu.enqueue_indirect_dma source(%dma_start3A_29 : memref<1000000x64xf32, #tpu.memory_space<hbm>>) target(%dma_start3A_24 : memref<128x64xf32, #tpu.memory_space<vmem>>) offsets(%dma_start3A_26 : memref<128xi32, #tpu.memory_space<vmem>>) semaphore(%arg9 : memref<!tpu.dma_semaphore, #tpu.memory_space<semaphore_mem>>)
      %dma_start3A_30 = arith.constant 256 : i32
      %dma_start3A_31 = arith.constant 0 : i32
      %dma_start3A_32 = tpu.memref_slice %arg7[%dma_start3A_30, %dma_start3A_31] : memref<400x64xf32, #tpu.memory_space<vmem>> -> memref<128x64xf32, #tpu.memory_space<vmem>>
      %dma_start3A_33 = arith.constant 256 : i32
      %dma_start3A_34 = tpu.memref_slice %arg6[%dma_start3A_33] : memref<400xi32, #tpu.memory_space<vmem>> -> memref<128xi32, #tpu.memory_space<vmem>>
      %dma_start3A_35 = arith.constant 0 : i32
      %dma_start3A_36 = arith.constant 0 : i32
      %dma_start3A_37 = tpu.memref_slice %arg3[%dma_start3A_35, %dma_start3A_36] : memref<1000000x64xf32, #tpu.memory_space<hbm>> -> memref<1000000x64xf32, #tpu.memory_space<hbm>>
      tpu.enqueue_indirect_dma source(%dma_start3A_37 : memref<1000000x64xf32, #tpu.memory_space<hbm>>) target(%dma_start3A_32 : memref<128x64xf32, #tpu.memory_space<vmem>>) offsets(%dma_start3A_34 : memref<128xi32, #tpu.memory_space<vmem>>) semaphore(%arg9 : memref<!tpu.dma_semaphore, #tpu.memory_space<semaphore_mem>>)
      %dma_start3A_38 = arith.constant 384 : i32
      %dma_start3A_39 = arith.constant 0 : i32
      %dma_start3A_40 = tpu.memref_slice %arg7[%dma_start3A_38, %dma_start3A_39] : memref<400x64xf32, #tpu.memory_space<vmem>> -> memref<16x64xf32, #tpu.memory_space<vmem>>
      %dma_start3A_41 = arith.constant 384 : i32
      %dma_start3A_42 = tpu.memref_slice %arg6[%dma_start3A_41] : memref<400xi32, #tpu.memory_space<vmem>> -> memref<16xi32, #tpu.memory_space<vmem>>
      %dma_start3A_43 = arith.constant 0 : i32
      %dma_start3A_44 = arith.constant 0 : i32
      %dma_start3A_45 = tpu.memref_slice %arg3[%dma_start3A_43, %dma_start3A_44] : memref<1000000x64xf32, #tpu.memory_space<hbm>> -> memref<1000000x64xf32, #tpu.memory_space<hbm>>
      tpu.enqueue_indirect_dma source(%dma_start3A_45 : memref<1000000x64xf32, #tpu.memory_space<hbm>>) target(%dma_start3A_40 : memref<16x64xf32, #tpu.memory_space<vmem>>) offsets(%dma_start3A_42 : memref<16xi32, #tpu.memory_space<vmem>>) semaphore(%arg9 : memref<!tpu.dma_semaphore, #tpu.memory_space<semaphore_mem>>)
      %dma_wait3A = arith.constant 0 : i32
      %dma_wait3A_46 = arith.constant 0 : i32
      %dma_wait3A_47 = tpu.memref_slice %arg7[%dma_wait3A, %dma_wait3A_46] : memref<400x64xf32, #tpu.memory_space<vmem>> -> memref<128x64xf32, #tpu.memory_space<vmem>>
      %dma_wait3A_48 = arith.constant 0 : i32
      %dma_wait3A_49 = tpu.memref_slice %arg6[%dma_wait3A_48] : memref<400xi32, #tpu.memory_space<vmem>> -> memref<128xi32, #tpu.memory_space<vmem>>
      %dma_wait3A_50 = arith.constant 0 : i32
      %dma_wait3A_51 = arith.constant 0 : i32
      %dma_wait3A_52 = tpu.memref_slice %arg3[%dma_wait3A_50, %dma_wait3A_51] : memref<1000000x64xf32, #tpu.memory_space<hbm>> -> memref<1000000x64xf32, #tpu.memory_space<hbm>>
      tpu.wait_indirect_dma semaphore(%arg9 : memref<!tpu.dma_semaphore, #tpu.memory_space<semaphore_mem>>) src(%dma_wait3A_52 : memref<1000000x64xf32, #tpu.memory_space<hbm>>) dst(%dma_wait3A_47 : memref<128x64xf32, #tpu.memory_space<vmem>>)
      %dma_wait3A_53 = arith.constant 128 : i32
      %dma_wait3A_54 = arith.constant 0 : i32
      %dma_wait3A_55 = tpu.memref_slice %arg7[%dma_wait3A_53, %dma_wait3A_54] : memref<400x64xf32, #tpu.memory_space<vmem>> -> memref<128x64xf32, #tpu.memory_space<vmem>>
      %dma_wait3A_56 = arith.constant 128 : i32
      %dma_wait3A_57 = tpu.memref_slice %arg6[%dma_wait3A_56] : memref<400xi32, #tpu.memory_space<vmem>> -> memref<128xi32, #tpu.memory_space<vmem>>
      %dma_wait3A_58 = arith.constant 0 : i32
      %dma_wait3A_59 = arith.constant 0 : i32
      %dma_wait3A_60 = tpu.memref_slice %arg3[%dma_wait3A_58, %dma_wait3A_59] : memref<1000000x64xf32, #tpu.memory_space<hbm>> -> memref<1000000x64xf32, #tpu.memory_space<hbm>>
      tpu.wait_indirect_dma semaphore(%arg9 : memref<!tpu.dma_semaphore, #tpu.memory_space<semaphore_mem>>) src(%dma_wait3A_60 : memref<1000000x64xf32, #tpu.memory_space<hbm>>) dst(%dma_wait3A_55 : memref<128x64xf32, #tpu.memory_space<vmem>>)
      %dma_wait3A_61 = arith.constant 256 : i32
      %dma_wait3A_62 = arith.constant 0 : i32
      %dma_wait3A_63 = tpu.memref_slice %arg7[%dma_wait3A_61, %dma_wait3A_62] : memref<400x64xf32, #tpu.memory_space<vmem>> -> memref<128x64xf32, #tpu.memory_space<vmem>>
      %dma_wait3A_64 = arith.constant 256 : i32
      %dma_wait3A_65 = tpu.memref_slice %arg6[%dma_wait3A_64] : memref<400xi32, #tpu.memory_space<vmem>> -> memref<128xi32, #tpu.memory_space<vmem>>
      %dma_wait3A_66 = arith.constant 0 : i32
      %dma_wait3A_67 = arith.constant 0 : i32
      %dma_wait3A_68 = tpu.memref_slice %arg3[%dma_wait3A_66, %dma_wait3A_67] : memref<1000000x64xf32, #tpu.memory_space<hbm>> -> memref<1000000x64xf32, #tpu.memory_space<hbm>>
      tpu.wait_indirect_dma semaphore(%arg9 : memref<!tpu.dma_semaphore, #tpu.memory_space<semaphore_mem>>) src(%dma_wait3A_68 : memref<1000000x64xf32, #tpu.memory_space<hbm>>) dst(%dma_wait3A_63 : memref<128x64xf32, #tpu.memory_space<vmem>>)
      %dma_wait3A_69 = arith.constant 384 : i32
      %dma_wait3A_70 = arith.constant 0 : i32
      %dma_wait3A_71 = tpu.memref_slice %arg7[%dma_wait3A_69, %dma_wait3A_70] : memref<400x64xf32, #tpu.memory_space<vmem>> -> memref<16x64xf32, #tpu.memory_space<vmem>>
      %dma_wait3A_72 = arith.constant 384 : i32
      %dma_wait3A_73 = tpu.memref_slice %arg6[%dma_wait3A_72] : memref<400xi32, #tpu.memory_space<vmem>> -> memref<16xi32, #tpu.memory_space<vmem>>
      %dma_wait3A_74 = arith.constant 0 : i32
      %dma_wait3A_75 = arith.constant 0 : i32
      %dma_wait3A_76 = tpu.memref_slice %arg3[%dma_wait3A_74, %dma_wait3A_75] : memref<1000000x64xf32, #tpu.memory_space<hbm>> -> memref<1000000x64xf32, #tpu.memory_space<hbm>>
      tpu.wait_indirect_dma semaphore(%arg9 : memref<!tpu.dma_semaphore, #tpu.memory_space<semaphore_mem>>) src(%dma_wait3A_76 : memref<1000000x64xf32, #tpu.memory_space<hbm>>) dst(%dma_wait3A_71 : memref<16x64xf32, #tpu.memory_space<vmem>>)
      %scan3A_77 = arith.constant 0 : i32
      %scan3A_78 = arith.constant 25 : i32
      %scan3A_79 = arith.addi %scan3A_77, %scan3A_78 : i32
      %scan3A_80 = arith.constant 1 : i32
      scf.for %scan3A_87 = %scan3A_77 to %scan3A_79 step %scan3A_80  : i32 {
        %mul3A_88 = arith.constant 1 : i32
        %mul3A_89 = arith.muli %scan3A_87, %mul3A_88 : i32
        %add3A_90 = arith.constant 0 : i32
        %add3A_91 = arith.addi %add3A_90, %mul3A_89 : i32
        %mul3A_92 = arith.constant 16 : i32
        %mul3A_93 = arith.muli %add3A_91, %mul3A_92 : i32
        %get3A = arith.index_cast %mul3A_93 : i32 to index
        %get3A_94 = tpu.vector_load %arg6[%get3A] {strides = array<i32>} : memref<400xi32, #tpu.memory_space<vmem>>, vector<16xi32>,
        %eq3A = arith.constant 0 : i32
        %eq3A_95 = vector.broadcast %eq3A : i32 to vector<16xi32>
        %eq3A_96 = arith.cmpi eq, %get3A_94, %eq3A_95 : vector<16xi32>
        %jit3A = arith.constant 1 : i32
        %jit3A_97 = arith.constant 0 : i32
        %broadcast_in_dim3A = vector.broadcast %jit3A : i32 to vector<16xi32>
        %broadcast_in_dim3A_98 = vector.broadcast %jit3A_97 : i32 to vector<16xi32>
        %select_n3A = arith.select %eq3A_96, %broadcast_in_dim3A, %broadcast_in_dim3A_98 : vector<16xi1>, vector<16xi32>
        %reduce_sum3A = arith.constant true
        %reduce_sum3A_99 = vector.broadcast %reduce_sum3A : i1 to vector<16xi1>
        %reduce_sum3A_100 = tpu.scan <sum>, %select_n3A masked %reduce_sum3A_99 : vector<16xi32>, vector<16xi1> -> vector<16xi32>
        %reduce_sum3A_101 = vector.extract %reduce_sum3A_100[15] : i32 from vector<16xi32>
        %gt3A = arith.constant 0 : i32
        %gt3A_102 = arith.cmpi sgt, %reduce_sum3A_101, %gt3A : i32
        %convert_element_type3A = arith.extui %gt3A_102 : i1 to i32
        %cond3A = arith.constant 0 : i32
        %cond3A_103 = arith.cmpi ne, %convert_element_type3A, %cond3A : i32
        scf.if %cond3A_103 {
          %iota3A = tpu.iota {dimensions = array<i32: 0>} : vector<16xi32>
          %broadcast_in_dim3A_104 = arith.constant 0.000000e+00 : f32
          %broadcast_in_dim3A_105 = vector.broadcast %broadcast_in_dim3A_104 : f32 to vector<16xf32>
          %mul3A_106 = arith.constant 16 : i32
          %mul3A_107 = arith.muli %add3A_91, %mul3A_106 : i32
          %broadcast_in_dim3A_108 = arith.constant 0 : i32
          %broadcast_in_dim3A_109 = vector.broadcast %broadcast_in_dim3A_108 : i32 to vector<16xi32>
          %scatter3A = arith.constant 0 : i32
          %scatter3A_110 = tpu.memref_slice %arg7[%mul3A_107, %scatter3A] : memref<400x64xf32, #tpu.memory_space<vmem>> -> memref<16x64xf32, #tpu.memory_space<vmem>>
          tpu.vector_store_idx %scatter3A_110[%iota3A, %broadcast_in_dim3A_109], %broadcast_in_dim3A_105 masked %eq3A_96 : memref<16x64xf32, #tpu.memory_space<vmem>>[vector<16xi32>, vector<16xi32>], vector<16xf32>, vector<16xi1>
          %broadcast_in_dim3A_111 = arith.constant 1 : i32
          %broadcast_in_dim3A_112 = vector.broadcast %broadcast_in_dim3A_111 : i32 to vector<16xi32>
          %scatter3A_113 = arith.constant 0 : i32
          %scatter3A_114 = tpu.memref_slice %arg7[%mul3A_107, %scatter3A_113] : memref<400x64xf32, #tpu.memory_space<vmem>> -> memref<16x64xf32, #tpu.memory_space<vmem>>
          tpu.vector_store_idx %scatter3A_114[%iota3A, %broadcast_in_dim3A_112], %broadcast_in_dim3A_105 masked %eq3A_96 : memref<16x64xf32, #tpu.memory_space<vmem>>[vector<16xi32>, vector<16xi32>], vector<16xf32>, vector<16xi1>
          %broadcast_in_dim3A_115 = arith.constant 2 : i32
          %broadcast_in_dim3A_116 = vector.broadcast %broadcast_in_dim3A_115 : i32 to vector<16xi32>
          %scatter3A_117 = arith.constant 0 : i32
          %scatter3A_118 = tpu.memref_slice %arg7[%mul3A_107, %scatter3A_117] : memref<400x64xf32, #tpu.memory_space<vmem>> -> memref<16x64xf32, #tpu.memory_space<vmem>>
          tpu.vector_store_idx %scatter3A_118[%iota3A, %broadcast_in_dim3A_116], %broadcast_in_dim3A_105 masked %eq3A_96 : memref<16x64xf32, #tpu.memory_space<vmem>>[vector<16xi32>, vector<16xi32>], vector<16xf32>, vector<16xi1>
          %broadcast_in_dim3A_119 = arith.constant 3 : i32
          %broadcast_in_dim3A_120 = vector.broadcast %broadcast_in_dim3A_119 : i32 to vector<16xi32>
          %scatter3A_121 = arith.constant 0 : i32
          %scatter3A_122 = tpu.memref_slice %arg7[%mul3A_107, %scatter3A_121] : memref<400x64xf32, #tpu.memory_space<vmem>> -> memref<16x64xf32, #tpu.memory_space<vmem>>
          tpu.vector_store_idx %scatter3A_122[%iota3A, %broadcast_in_dim3A_120], %broadcast_in_dim3A_105 masked %eq3A_96 : memref<16x64xf32, #tpu.memory_space<vmem>>[vector<16xi32>, vector<16xi32>], vector<16xf32>, vector<16xi1>
          %broadcast_in_dim3A_123 = arith.constant 4 : i32
          %broadcast_in_dim3A_124 = vector.broadcast %broadcast_in_dim3A_123 : i32 to vector<16xi32>
          %scatter3A_125 = arith.constant 0 : i32
          %scatter3A_126 = tpu.memref_slice %arg7[%mul3A_107, %scatter3A_125] : memref<400x64xf32, #tpu.memory_space<vmem>> -> memref<16x64xf32, #tpu.memory_space<vmem>>
          tpu.vector_store_idx %scatter3A_126[%iota3A, %broadcast_in_dim3A_124], %broadcast_in_dim3A_105 masked %eq3A_96 : memref<16x64xf32, #tpu.memory_space<vmem>>[vector<16xi32>, vector<16xi32>], vector<16xf32>, vector<16xi1>
          %broadcast_in_dim3A_127 = arith.constant 5 : i32
          %broadcast_in_dim3A_128 = vector.broadcast %broadcast_in_dim3A_127 : i32 to vector<16xi32>
          %scatter3A_129 = arith.constant 0 : i32
          %scatter3A_130 = tpu.memref_slice %arg7[%mul3A_107, %scatter3A_129] : memref<400x64xf32, #tpu.memory_space<vmem>> -> memref<16x64xf32, #tpu.memory_space<vmem>>
          tpu.vector_store_idx %scatter3A_130[%iota3A, %broadcast_in_dim3A_128], %broadcast_in_dim3A_105 masked %eq3A_96 : memref<16x64xf32, #tpu.memory_space<vmem>>[vector<16xi32>, vector<16xi32>], vector<16xf32>, vector<16xi1>
          %broadcast_in_dim3A_131 = arith.constant 6 : i32
          %broadcast_in_dim3A_132 = vector.broadcast %broadcast_in_dim3A_131 : i32 to vector<16xi32>
          %scatter3A_133 = arith.constant 0 : i32
          %scatter3A_134 = tpu.memref_slice %arg7[%mul3A_107, %scatter3A_133] : memref<400x64xf32, #tpu.memory_space<vmem>> -> memref<16x64xf32, #tpu.memory_space<vmem>>
          tpu.vector_store_idx %scatter3A_134[%iota3A, %broadcast_in_dim3A_132], %broadcast_in_dim3A_105 masked %eq3A_96 : memref<16x64xf32, #tpu.memory_space<vmem>>[vector<16xi32>, vector<16xi32>], vector<16xf32>, vector<16xi1>
          %broadcast_in_dim3A_135 = arith.constant 7 : i32
          %broadcast_in_dim3A_136 = vector.broadcast %broadcast_in_dim3A_135 : i32 to vector<16xi32>
          %scatter3A_137 = arith.constant 0 : i32
          %scatter3A_138 = tpu.memref_slice %arg7[%mul3A_107, %scatter3A_137] : memref<400x64xf32, #tpu.memory_space<vmem>> -> memref<16x64xf32, #tpu.memory_space<vmem>>
          tpu.vector_store_idx %scatter3A_138[%iota3A, %broadcast_in_dim3A_136], %broadcast_in_dim3A_105 masked %eq3A_96 : memref<16x64xf32, #tpu.memory_space<vmem>>[vector<16xi32>, vector<16xi32>], vector<16xf32>, vector<16xi1>
          %broadcast_in_dim3A_139 = arith.constant 8 : i32
          %broadcast_in_dim3A_140 = vector.broadcast %broadcast_in_dim3A_139 : i32 to vector<16xi32>
          %scatter3A_141 = arith.constant 0 : i32
          %scatter3A_142 = tpu.memref_slice %arg7[%mul3A_107, %scatter3A_141] : memref<400x64xf32, #tpu.memory_space<vmem>> -> memref<16x64xf32, #tpu.memory_space<vmem>>
          tpu.vector_store_idx %scatter3A_142[%iota3A, %broadcast_in_dim3A_140], %broadcast_in_dim3A_105 masked %eq3A_96 : memref<16x64xf32, #tpu.memory_space<vmem>>[vector<16xi32>, vector<16xi32>], vector<16xf32>, vector<16xi1>
          %broadcast_in_dim3A_143 = arith.constant 9 : i32
          %broadcast_in_dim3A_144 = vector.broadcast %broadcast_in_dim3A_143 : i32 to vector<16xi32>
          %scatter3A_145 = arith.constant 0 : i32
          %scatter3A_146 = tpu.memref_slice %arg7[%mul3A_107, %scatter3A_145] : memref<400x64xf32, #tpu.memory_space<vmem>> -> memref<16x64xf32, #tpu.memory_space<vmem>>
          tpu.vector_store_idx %scatter3A_146[%iota3A, %broadcast_in_dim3A_144], %broadcast_in_dim3A_105 masked %eq3A_96 : memref<16x64xf32, #tpu.memory_space<vmem>>[vector<16xi32>, vector<16xi32>], vector<16xf32>, vector<16xi1>
          %broadcast_in_dim3A_147 = arith.constant 10 : i32
          %broadcast_in_dim3A_148 = vector.broadcast %broadcast_in_dim3A_147 : i32 to vector<16xi32>
          %scatter3A_149 = arith.constant 0 : i32
          %scatter3A_150 = tpu.memref_slice %arg7[%mul3A_107, %scatter3A_149] : memref<400x64xf32, #tpu.memory_space<vmem>> -> memref<16x64xf32, #tpu.memory_space<vmem>>
          tpu.vector_store_idx %scatter3A_150[%iota3A, %broadcast_in_dim3A_148], %broadcast_in_dim3A_105 masked %eq3A_96 : memref<16x64xf32, #tpu.memory_space<vmem>>[vector<16xi32>, vector<16xi32>], vector<16xf32>, vector<16xi1>
          %broadcast_in_dim3A_151 = arith.constant 11 : i32
          %broadcast_in_dim3A_152 = vector.broadcast %broadcast_in_dim3A_151 : i32 to vector<16xi32>
          %scatter3A_153 = arith.constant 0 : i32
          %scatter3A_154 = tpu.memref_slice %arg7[%mul3A_107, %scatter3A_153] : memref<400x64xf32, #tpu.memory_space<vmem>> -> memref<16x64xf32, #tpu.memory_space<vmem>>
          tpu.vector_store_idx %scatter3A_154[%iota3A, %broadcast_in_dim3A_152], %broadcast_in_dim3A_105 masked %eq3A_96 : memref<16x64xf32, #tpu.memory_space<vmem>>[vector<16xi32>, vector<16xi32>], vector<16xf32>, vector<16xi1>
          %broadcast_in_dim3A_155 = arith.constant 12 : i32
          %broadcast_in_dim3A_156 = vector.broadcast %broadcast_in_dim3A_155 : i32 to vector<16xi32>
          %scatter3A_157 = arith.constant 0 : i32
          %scatter3A_158 = tpu.memref_slice %arg7[%mul3A_107, %scatter3A_157] : memref<400x64xf32, #tpu.memory_space<vmem>> -> memref<16x64xf32, #tpu.memory_space<vmem>>
          tpu.vector_store_idx %scatter3A_158[%iota3A, %broadcast_in_dim3A_156], %broadcast_in_dim3A_105 masked %eq3A_96 : memref<16x64xf32, #tpu.memory_space<vmem>>[vector<16xi32>, vector<16xi32>], vector<16xf32>, vector<16xi1>
          %broadcast_in_dim3A_159 = arith.constant 13 : i32
          %broadcast_in_dim3A_160 = vector.broadcast %broadcast_in_dim3A_159 : i32 to vector<16xi32>
          %scatter3A_161 = arith.constant 0 : i32
          %scatter3A_162 = tpu.memref_slice %arg7[%mul3A_107, %scatter3A_161] : memref<400x64xf32, #tpu.memory_space<vmem>> -> memref<16x64xf32, #tpu.memory_space<vmem>>
          tpu.vector_store_idx %scatter3A_162[%iota3A, %broadcast_in_dim3A_160], %broadcast_in_dim3A_105 masked %eq3A_96 : memref<16x64xf32, #tpu.memory_space<vmem>>[vector<16xi32>, vector<16xi32>], vector<16xf32>, vector<16xi1>
          %broadcast_in_dim3A_163 = arith.constant 14 : i32
          %broadcast_in_dim3A_164 = vector.broadcast %broadcast_in_dim3A_163 : i32 to vector<16xi32>
          %scatter3A_165 = arith.constant 0 : i32
          %scatter3A_166 = tpu.memref_slice %arg7[%mul3A_107, %scatter3A_165] : memref<400x64xf32, #tpu.memory_space<vmem>> -> memref<16x64xf32, #tpu.memory_space<vmem>>
          tpu.vector_store_idx %scatter3A_166[%iota3A, %broadcast_in_dim3A_164], %broadcast_in_dim3A_105 masked %eq3A_96 : memref<16x64xf32, #tpu.memory_space<vmem>>[vector<16xi32>, vector<16xi32>], vector<16xf32>, vector<16xi1>
          %broadcast_in_dim3A_167 = arith.constant 15 : i32
          %broadcast_in_dim3A_168 = vector.broadcast %broadcast_in_dim3A_167 : i32 to vector<16xi32>
          %scatter3A_169 = arith.constant 0 : i32
          %scatter3A_170 = tpu.memref_slice %arg7[%mul3A_107, %scatter3A_169] : memref<400x64xf32, #tpu.memory_space<vmem>> -> memref<16x64xf32, #tpu.memory_space<vmem>>
          tpu.vector_store_idx %scatter3A_170[%iota3A, %broadcast_in_dim3A_168], %broadcast_in_dim3A_105 masked %eq3A_96 : memref<16x64xf32, #tpu.memory_space<vmem>>[vector<16xi32>, vector<16xi32>], vector<16xf32>, vector<16xi1>
          %broadcast_in_dim3A_171 = arith.constant 16 : i32
          %broadcast_in_dim3A_172 = vector.broadcast %broadcast_in_dim3A_171 : i32 to vector<16xi32>
          %scatter3A_173 = arith.constant 0 : i32
          %scatter3A_174 = tpu.memref_slice %arg7[%mul3A_107, %scatter3A_173] : memref<400x64xf32, #tpu.memory_space<vmem>> -> memref<16x64xf32, #tpu.memory_space<vmem>>
          tpu.vector_store_idx %scatter3A_174[%iota3A, %broadcast_in_dim3A_172], %broadcast_in_dim3A_105 masked %eq3A_96 : memref<16x64xf32, #tpu.memory_space<vmem>>[vector<16xi32>, vector<16xi32>], vector<16xf32>, vector<16xi1>
          %broadcast_in_dim3A_175 = arith.constant 17 : i32
          %broadcast_in_dim3A_176 = vector.broadcast %broadcast_in_dim3A_175 : i32 to vector<16xi32>
          %scatter3A_177 = arith.constant 0 : i32
          %scatter3A_178 = tpu.memref_slice %arg7[%mul3A_107, %scatter3A_177] : memref<400x64xf32, #tpu.memory_space<vmem>> -> memref<16x64xf32, #tpu.memory_space<vmem>>
          tpu.vector_store_idx %scatter3A_178[%iota3A, %broadcast_in_dim3A_176], %broadcast_in_dim3A_105 masked %eq3A_96 : memref<16x64xf32, #tpu.memory_space<vmem>>[vector<16xi32>, vector<16xi32>], vector<16xf32>, vector<16xi1>
          %broadcast_in_dim3A_179 = arith.constant 18 : i32
          %broadcast_in_dim3A_180 = vector.broadcast %broadcast_in_dim3A_179 : i32 to vector<16xi32>
          %scatter3A_181 = arith.constant 0 : i32
          %scatter3A_182 = tpu.memref_slice %arg7[%mul3A_107, %scatter3A_181] : memref<400x64xf32, #tpu.memory_space<vmem>> -> memref<16x64xf32, #tpu.memory_space<vmem>>
          tpu.vector_store_idx %scatter3A_182[%iota3A, %broadcast_in_dim3A_180], %broadcast_in_dim3A_105 masked %eq3A_96 : memref<16x64xf32, #tpu.memory_space<vmem>>[vector<16xi32>, vector<16xi32>], vector<16xf32>, vector<16xi1>
          %broadcast_in_dim3A_183 = arith.constant 19 : i32
          %broadcast_in_dim3A_184 = vector.broadcast %broadcast_in_dim3A_183 : i32 to vector<16xi32>
          %scatter3A_185 = arith.constant 0 : i32
          %scatter3A_186 = tpu.memref_slice %arg7[%mul3A_107, %scatter3A_185] : memref<400x64xf32, #tpu.memory_space<vmem>> -> memref<16x64xf32, #tpu.memory_space<vmem>>
          tpu.vector_store_idx %scatter3A_186[%iota3A, %broadcast_in_dim3A_184], %broadcast_in_dim3A_105 masked %eq3A_96 : memref<16x64xf32, #tpu.memory_space<vmem>>[vector<16xi32>, vector<16xi32>], vector<16xf32>, vector<16xi1>
          %broadcast_in_dim3A_187 = arith.constant 20 : i32
          %broadcast_in_dim3A_188 = vector.broadcast %broadcast_in_dim3A_187 : i32 to vector<16xi32>
          %scatter3A_189 = arith.constant 0 : i32
          %scatter3A_190 = tpu.memref_slice %arg7[%mul3A_107, %scatter3A_189] : memref<400x64xf32, #tpu.memory_space<vmem>> -> memref<16x64xf32, #tpu.memory_space<vmem>>
          tpu.vector_store_idx %scatter3A_190[%iota3A, %broadcast_in_dim3A_188], %broadcast_in_dim3A_105 masked %eq3A_96 : memref<16x64xf32, #tpu.memory_space<vmem>>[vector<16xi32>, vector<16xi32>], vector<16xf32>, vector<16xi1>
          %broadcast_in_dim3A_191 = arith.constant 21 : i32
          %broadcast_in_dim3A_192 = vector.broadcast %broadcast_in_dim3A_191 : i32 to vector<16xi32>
          %scatter3A_193 = arith.constant 0 : i32
          %scatter3A_194 = tpu.memref_slice %arg7[%mul3A_107, %scatter3A_193] : memref<400x64xf32, #tpu.memory_space<vmem>> -> memref<16x64xf32, #tpu.memory_space<vmem>>
          tpu.vector_store_idx %scatter3A_194[%iota3A, %broadcast_in_dim3A_192], %broadcast_in_dim3A_105 masked %eq3A_96 : memref<16x64xf32, #tpu.memory_space<vmem>>[vector<16xi32>, vector<16xi32>], vector<16xf32>, vector<16xi1>
          %broadcast_in_dim3A_195 = arith.constant 22 : i32
          %broadcast_in_dim3A_196 = vector.broadcast %broadcast_in_dim3A_195 : i32 to vector<16xi32>
          %scatter3A_197 = arith.constant 0 : i32
          %scatter3A_198 = tpu.memref_slice %arg7[%mul3A_107, %scatter3A_197] : memref<400x64xf32, #tpu.memory_space<vmem>> -> memref<16x64xf32, #tpu.memory_space<vmem>>
          tpu.vector_store_idx %scatter3A_198[%iota3A, %broadcast_in_dim3A_196], %broadcast_in_dim3A_105 masked %eq3A_96 : memref<16x64xf32, #tpu.memory_space<vmem>>[vector<16xi32>, vector<16xi32>], vector<16xf32>, vector<16xi1>
          %broadcast_in_dim3A_199 = arith.constant 23 : i32
          %broadcast_in_dim3A_200 = vector.broadcast %broadcast_in_dim3A_199 : i32 to vector<16xi32>
          %scatter3A_201 = arith.constant 0 : i32
          %scatter3A_202 = tpu.memref_slice %arg7[%mul3A_107, %scatter3A_201] : memref<400x64xf32, #tpu.memory_space<vmem>> -> memref<16x64xf32, #tpu.memory_space<vmem>>
          tpu.vector_store_idx %scatter3A_202[%iota3A, %broadcast_in_dim3A_200], %broadcast_in_dim3A_105 masked %eq3A_96 : memref<16x64xf32, #tpu.memory_space<vmem>>[vector<16xi32>, vector<16xi32>], vector<16xf32>, vector<16xi1>
          %broadcast_in_dim3A_203 = arith.constant 24 : i32
          %broadcast_in_dim3A_204 = vector.broadcast %broadcast_in_dim3A_203 : i32 to vector<16xi32>
          %scatter3A_205 = arith.constant 0 : i32
          %scatter3A_206 = tpu.memref_slice %arg7[%mul3A_107, %scatter3A_205] : memref<400x64xf32, #tpu.memory_space<vmem>> -> memref<16x64xf32, #tpu.memory_space<vmem>>
          tpu.vector_store_idx %scatter3A_206[%iota3A, %broadcast_in_dim3A_204], %broadcast_in_dim3A_105 masked %eq3A_96 : memref<16x64xf32, #tpu.memory_space<vmem>>[vector<16xi32>, vector<16xi32>], vector<16xf32>, vector<16xi1>
          %broadcast_in_dim3A_207 = arith.constant 25 : i32
          %broadcast_in_dim3A_208 = vector.broadcast %broadcast_in_dim3A_207 : i32 to vector<16xi32>
          %scatter3A_209 = arith.constant 0 : i32
          %scatter3A_210 = tpu.memref_slice %arg7[%mul3A_107, %scatter3A_209] : memref<400x64xf32, #tpu.memory_space<vmem>> -> memref<16x64xf32, #tpu.memory_space<vmem>>
          tpu.vector_store_idx %scatter3A_210[%iota3A, %broadcast_in_dim3A_208], %broadcast_in_dim3A_105 masked %eq3A_96 : memref<16x64xf32, #tpu.memory_space<vmem>>[vector<16xi32>, vector<16xi32>], vector<16xf32>, vector<16xi1>
          %broadcast_in_dim3A_211 = arith.constant 26 : i32
          %broadcast_in_dim3A_212 = vector.broadcast %broadcast_in_dim3A_211 : i32 to vector<16xi32>
          %scatter3A_213 = arith.constant 0 : i32
          %scatter3A_214 = tpu.memref_slice %arg7[%mul3A_107, %scatter3A_213] : memref<400x64xf32, #tpu.memory_space<vmem>> -> memref<16x64xf32, #tpu.memory_space<vmem>>
          tpu.vector_store_idx %scatter3A_214[%iota3A, %broadcast_in_dim3A_212], %broadcast_in_dim3A_105 masked %eq3A_96 : memref<16x64xf32, #tpu.memory_space<vmem>>[vector<16xi32>, vector<16xi32>], vector<16xf32>, vector<16xi1>
          %broadcast_in_dim3A_215 = arith.constant 27 : i32
          %broadcast_in_dim3A_216 = vector.broadcast %broadcast_in_dim3A_215 : i32 to vector<16xi32>
          %scatter3A_217 = arith.constant 0 : i32
          %scatter3A_218 = tpu.memref_slice %arg7[%mul3A_107, %scatter3A_217] : memref<400x64xf32, #tpu.memory_space<vmem>> -> memref<16x64xf32, #tpu.memory_space<vmem>>
          tpu.vector_store_idx %scatter3A_218[%iota3A, %broadcast_in_dim3A_216], %broadcast_in_dim3A_105 masked %eq3A_96 : memref<16x64xf32, #tpu.memory_space<vmem>>[vector<16xi32>, vector<16xi32>], vector<16xf32>, vector<16xi1>
          %broadcast_in_dim3A_219 = arith.constant 28 : i32
          %broadcast_in_dim3A_220 = vector.broadcast %broadcast_in_dim3A_219 : i32 to vector<16xi32>
          %scatter3A_221 = arith.constant 0 : i32
          %scatter3A_222 = tpu.memref_slice %arg7[%mul3A_107, %scatter3A_221] : memref<400x64xf32, #tpu.memory_space<vmem>> -> memref<16x64xf32, #tpu.memory_space<vmem>>
          tpu.vector_store_idx %scatter3A_222[%iota3A, %broadcast_in_dim3A_220], %broadcast_in_dim3A_105 masked %eq3A_96 : memref<16x64xf32, #tpu.memory_space<vmem>>[vector<16xi32>, vector<16xi32>], vector<16xf32>, vector<16xi1>
          %broadcast_in_dim3A_223 = arith.constant 29 : i32
          %broadcast_in_dim3A_224 = vector.broadcast %broadcast_in_dim3A_223 : i32 to vector<16xi32>
          %scatter3A_225 = arith.constant 0 : i32
          %scatter3A_226 = tpu.memref_slice %arg7[%mul3A_107, %scatter3A_225] : memref<400x64xf32, #tpu.memory_space<vmem>> -> memref<16x64xf32, #tpu.memory_space<vmem>>
          tpu.vector_store_idx %scatter3A_226[%iota3A, %broadcast_in_dim3A_224], %broadcast_in_dim3A_105 masked %eq3A_96 : memref<16x64xf32, #tpu.memory_space<vmem>>[vector<16xi32>, vector<16xi32>], vector<16xf32>, vector<16xi1>
          %broadcast_in_dim3A_227 = arith.constant 30 : i32
          %broadcast_in_dim3A_228 = vector.broadcast %broadcast_in_dim3A_227 : i32 to vector<16xi32>
          %scatter3A_229 = arith.constant 0 : i32
          %scatter3A_230 = tpu.memref_slice %arg7[%mul3A_107, %scatter3A_229] : memref<400x64xf32, #tpu.memory_space<vmem>> -> memref<16x64xf32, #tpu.memory_space<vmem>>
          tpu.vector_store_idx %scatter3A_230[%iota3A, %broadcast_in_dim3A_228], %broadcast_in_dim3A_105 masked %eq3A_96 : memref<16x64xf32, #tpu.memory_space<vmem>>[vector<16xi32>, vector<16xi32>], vector<16xf32>, vector<16xi1>
          %broadcast_in_dim3A_231 = arith.constant 31 : i32
          %broadcast_in_dim3A_232 = vector.broadcast %broadcast_in_dim3A_231 : i32 to vector<16xi32>
          %scatter3A_233 = arith.constant 0 : i32
          %scatter3A_234 = tpu.memref_slice %arg7[%mul3A_107, %scatter3A_233] : memref<400x64xf32, #tpu.memory_space<vmem>> -> memref<16x64xf32, #tpu.memory_space<vmem>>
          tpu.vector_store_idx %scatter3A_234[%iota3A, %broadcast_in_dim3A_232], %broadcast_in_dim3A_105 masked %eq3A_96 : memref<16x64xf32, #tpu.memory_space<vmem>>[vector<16xi32>, vector<16xi32>], vector<16xf32>, vector<16xi1>
          %broadcast_in_dim3A_235 = arith.constant 32 : i32
          %broadcast_in_dim3A_236 = vector.broadcast %broadcast_in_dim3A_235 : i32 to vector<16xi32>
          %scatter3A_237 = arith.constant 0 : i32
          %scatter3A_238 = tpu.memref_slice %arg7[%mul3A_107, %scatter3A_237] : memref<400x64xf32, #tpu.memory_space<vmem>> -> memref<16x64xf32, #tpu.memory_space<vmem>>
          tpu.vector_store_idx %scatter3A_238[%iota3A, %broadcast_in_dim3A_236], %broadcast_in_dim3A_105 masked %eq3A_96 : memref<16x64xf32, #tpu.memory_space<vmem>>[vector<16xi32>, vector<16xi32>], vector<16xf32>, vector<16xi1>
          %broadcast_in_dim3A_239 = arith.constant 33 : i32
          %broadcast_in_dim3A_240 = vector.broadcast %broadcast_in_dim3A_239 : i32 to vector<16xi32>
          %scatter3A_241 = arith.constant 0 : i32
          %scatter3A_242 = tpu.memref_slice %arg7[%mul3A_107, %scatter3A_241] : memref<400x64xf32, #tpu.memory_space<vmem>> -> memref<16x64xf32, #tpu.memory_space<vmem>>
          tpu.vector_store_idx %scatter3A_242[%iota3A, %broadcast_in_dim3A_240], %broadcast_in_dim3A_105 masked %eq3A_96 : memref<16x64xf32, #tpu.memory_space<vmem>>[vector<16xi32>, vector<16xi32>], vector<16xf32>, vector<16xi1>
          %broadcast_in_dim3A_243 = arith.constant 34 : i32
          %broadcast_in_dim3A_244 = vector.broadcast %broadcast_in_dim3A_243 : i32 to vector<16xi32>
          %scatter3A_245 = arith.constant 0 : i32
          %scatter3A_246 = tpu.memref_slice %arg7[%mul3A_107, %scatter3A_245] : memref<400x64xf32, #tpu.memory_space<vmem>> -> memref<16x64xf32, #tpu.memory_space<vmem>>
          tpu.vector_store_idx %scatter3A_246[%iota3A, %broadcast_in_dim3A_244], %broadcast_in_dim3A_105 masked %eq3A_96 : memref<16x64xf32, #tpu.memory_space<vmem>>[vector<16xi32>, vector<16xi32>], vector<16xf32>, vector<16xi1>
          %broadcast_in_dim3A_247 = arith.constant 35 : i32
          %broadcast_in_dim3A_248 = vector.broadcast %broadcast_in_dim3A_247 : i32 to vector<16xi32>
          %scatter3A_249 = arith.constant 0 : i32
          %scatter3A_250 = tpu.memref_slice %arg7[%mul3A_107, %scatter3A_249] : memref<400x64xf32, #tpu.memory_space<vmem>> -> memref<16x64xf32, #tpu.memory_space<vmem>>
          tpu.vector_store_idx %scatter3A_250[%iota3A, %broadcast_in_dim3A_248], %broadcast_in_dim3A_105 masked %eq3A_96 : memref<16x64xf32, #tpu.memory_space<vmem>>[vector<16xi32>, vector<16xi32>], vector<16xf32>, vector<16xi1>
          %broadcast_in_dim3A_251 = arith.constant 36 : i32
          %broadcast_in_dim3A_252 = vector.broadcast %broadcast_in_dim3A_251 : i32 to vector<16xi32>
          %scatter3A_253 = arith.constant 0 : i32
          %scatter3A_254 = tpu.memref_slice %arg7[%mul3A_107, %scatter3A_253] : memref<400x64xf32, #tpu.memory_space<vmem>> -> memref<16x64xf32, #tpu.memory_space<vmem>>
          tpu.vector_store_idx %scatter3A_254[%iota3A, %broadcast_in_dim3A_252], %broadcast_in_dim3A_105 masked %eq3A_96 : memref<16x64xf32, #tpu.memory_space<vmem>>[vector<16xi32>, vector<16xi32>], vector<16xf32>, vector<16xi1>
          %broadcast_in_dim3A_255 = arith.constant 37 : i32
          %broadcast_in_dim3A_256 = vector.broadcast %broadcast_in_dim3A_255 : i32 to vector<16xi32>
          %scatter3A_257 = arith.constant 0 : i32
          %scatter3A_258 = tpu.memref_slice %arg7[%mul3A_107, %scatter3A_257] : memref<400x64xf32, #tpu.memory_space<vmem>> -> memref<16x64xf32, #tpu.memory_space<vmem>>
          tpu.vector_store_idx %scatter3A_258[%iota3A, %broadcast_in_dim3A_256], %broadcast_in_dim3A_105 masked %eq3A_96 : memref<16x64xf32, #tpu.memory_space<vmem>>[vector<16xi32>, vector<16xi32>], vector<16xf32>, vector<16xi1>
          %broadcast_in_dim3A_259 = arith.constant 38 : i32
          %broadcast_in_dim3A_260 = vector.broadcast %broadcast_in_dim3A_259 : i32 to vector<16xi32>
          %scatter3A_261 = arith.constant 0 : i32
          %scatter3A_262 = tpu.memref_slice %arg7[%mul3A_107, %scatter3A_261] : memref<400x64xf32, #tpu.memory_space<vmem>> -> memref<16x64xf32, #tpu.memory_space<vmem>>
          tpu.vector_store_idx %scatter3A_262[%iota3A, %broadcast_in_dim3A_260], %broadcast_in_dim3A_105 masked %eq3A_96 : memref<16x64xf32, #tpu.memory_space<vmem>>[vector<16xi32>, vector<16xi32>], vector<16xf32>, vector<16xi1>
          %broadcast_in_dim3A_263 = arith.constant 39 : i32
          %broadcast_in_dim3A_264 = vector.broadcast %broadcast_in_dim3A_263 : i32 to vector<16xi32>
          %scatter3A_265 = arith.constant 0 : i32
          %scatter3A_266 = tpu.memref_slice %arg7[%mul3A_107, %scatter3A_265] : memref<400x64xf32, #tpu.memory_space<vmem>> -> memref<16x64xf32, #tpu.memory_space<vmem>>
          tpu.vector_store_idx %scatter3A_266[%iota3A, %broadcast_in_dim3A_264], %broadcast_in_dim3A_105 masked %eq3A_96 : memref<16x64xf32, #tpu.memory_space<vmem>>[vector<16xi32>, vector<16xi32>], vector<16xf32>, vector<16xi1>
          %broadcast_in_dim3A_267 = arith.constant 40 : i32
          %broadcast_in_dim3A_268 = vector.broadcast %broadcast_in_dim3A_267 : i32 to vector<16xi32>
          %scatter3A_269 = arith.constant 0 : i32
          %scatter3A_270 = tpu.memref_slice %arg7[%mul3A_107, %scatter3A_269] : memref<400x64xf32, #tpu.memory_space<vmem>> -> memref<16x64xf32, #tpu.memory_space<vmem>>
          tpu.vector_store_idx %scatter3A_270[%iota3A, %broadcast_in_dim3A_268], %broadcast_in_dim3A_105 masked %eq3A_96 : memref<16x64xf32, #tpu.memory_space<vmem>>[vector<16xi32>, vector<16xi32>], vector<16xf32>, vector<16xi1>
          %broadcast_in_dim3A_271 = arith.constant 41 : i32
          %broadcast_in_dim3A_272 = vector.broadcast %broadcast_in_dim3A_271 : i32 to vector<16xi32>
          %scatter3A_273 = arith.constant 0 : i32
          %scatter3A_274 = tpu.memref_slice %arg7[%mul3A_107, %scatter3A_273] : memref<400x64xf32, #tpu.memory_space<vmem>> -> memref<16x64xf32, #tpu.memory_space<vmem>>
          tpu.vector_store_idx %scatter3A_274[%iota3A, %broadcast_in_dim3A_272], %broadcast_in_dim3A_105 masked %eq3A_96 : memref<16x64xf32, #tpu.memory_space<vmem>>[vector<16xi32>, vector<16xi32>], vector<16xf32>, vector<16xi1>
          %broadcast_in_dim3A_275 = arith.constant 42 : i32
          %broadcast_in_dim3A_276 = vector.broadcast %broadcast_in_dim3A_275 : i32 to vector<16xi32>
          %scatter3A_277 = arith.constant 0 : i32
          %scatter3A_278 = tpu.memref_slice %arg7[%mul3A_107, %scatter3A_277] : memref<400x64xf32, #tpu.memory_space<vmem>> -> memref<16x64xf32, #tpu.memory_space<vmem>>
          tpu.vector_store_idx %scatter3A_278[%iota3A, %broadcast_in_dim3A_276], %broadcast_in_dim3A_105 masked %eq3A_96 : memref<16x64xf32, #tpu.memory_space<vmem>>[vector<16xi32>, vector<16xi32>], vector<16xf32>, vector<16xi1>
          %broadcast_in_dim3A_279 = arith.constant 43 : i32
          %broadcast_in_dim3A_280 = vector.broadcast %broadcast_in_dim3A_279 : i32 to vector<16xi32>
          %scatter3A_281 = arith.constant 0 : i32
          %scatter3A_282 = tpu.memref_slice %arg7[%mul3A_107, %scatter3A_281] : memref<400x64xf32, #tpu.memory_space<vmem>> -> memref<16x64xf32, #tpu.memory_space<vmem>>
          tpu.vector_store_idx %scatter3A_282[%iota3A, %broadcast_in_dim3A_280], %broadcast_in_dim3A_105 masked %eq3A_96 : memref<16x64xf32, #tpu.memory_space<vmem>>[vector<16xi32>, vector<16xi32>], vector<16xf32>, vector<16xi1>
          %broadcast_in_dim3A_283 = arith.constant 44 : i32
          %broadcast_in_dim3A_284 = vector.broadcast %broadcast_in_dim3A_283 : i32 to vector<16xi32>
          %scatter3A_285 = arith.constant 0 : i32
          %scatter3A_286 = tpu.memref_slice %arg7[%mul3A_107, %scatter3A_285] : memref<400x64xf32, #tpu.memory_space<vmem>> -> memref<16x64xf32, #tpu.memory_space<vmem>>
          tpu.vector_store_idx %scatter3A_286[%iota3A, %broadcast_in_dim3A_284], %broadcast_in_dim3A_105 masked %eq3A_96 : memref<16x64xf32, #tpu.memory_space<vmem>>[vector<16xi32>, vector<16xi32>], vector<16xf32>, vector<16xi1>
          %broadcast_in_dim3A_287 = arith.constant 45 : i32
          %broadcast_in_dim3A_288 = vector.broadcast %broadcast_in_dim3A_287 : i32 to vector<16xi32>
          %scatter3A_289 = arith.constant 0 : i32
          %scatter3A_290 = tpu.memref_slice %arg7[%mul3A_107, %scatter3A_289] : memref<400x64xf32, #tpu.memory_space<vmem>> -> memref<16x64xf32, #tpu.memory_space<vmem>>
          tpu.vector_store_idx %scatter3A_290[%iota3A, %broadcast_in_dim3A_288], %broadcast_in_dim3A_105 masked %eq3A_96 : memref<16x64xf32, #tpu.memory_space<vmem>>[vector<16xi32>, vector<16xi32>], vector<16xf32>, vector<16xi1>
          %broadcast_in_dim3A_291 = arith.constant 46 : i32
          %broadcast_in_dim3A_292 = vector.broadcast %broadcast_in_dim3A_291 : i32 to vector<16xi32>
          %scatter3A_293 = arith.constant 0 : i32
          %scatter3A_294 = tpu.memref_slice %arg7[%mul3A_107, %scatter3A_293] : memref<400x64xf32, #tpu.memory_space<vmem>> -> memref<16x64xf32, #tpu.memory_space<vmem>>
          tpu.vector_store_idx %scatter3A_294[%iota3A, %broadcast_in_dim3A_292], %broadcast_in_dim3A_105 masked %eq3A_96 : memref<16x64xf32, #tpu.memory_space<vmem>>[vector<16xi32>, vector<16xi32>], vector<16xf32>, vector<16xi1>
          %broadcast_in_dim3A_295 = arith.constant 47 : i32
          %broadcast_in_dim3A_296 = vector.broadcast %broadcast_in_dim3A_295 : i32 to vector<16xi32>
          %scatter3A_297 = arith.constant 0 : i32
          %scatter3A_298 = tpu.memref_slice %arg7[%mul3A_107, %scatter3A_297] : memref<400x64xf32, #tpu.memory_space<vmem>> -> memref<16x64xf32, #tpu.memory_space<vmem>>
          tpu.vector_store_idx %scatter3A_298[%iota3A, %broadcast_in_dim3A_296], %broadcast_in_dim3A_105 masked %eq3A_96 : memref<16x64xf32, #tpu.memory_space<vmem>>[vector<16xi32>, vector<16xi32>], vector<16xf32>, vector<16xi1>
          %broadcast_in_dim3A_299 = arith.constant 48 : i32
          %broadcast_in_dim3A_300 = vector.broadcast %broadcast_in_dim3A_299 : i32 to vector<16xi32>
          %scatter3A_301 = arith.constant 0 : i32
          %scatter3A_302 = tpu.memref_slice %arg7[%mul3A_107, %scatter3A_301] : memref<400x64xf32, #tpu.memory_space<vmem>> -> memref<16x64xf32, #tpu.memory_space<vmem>>
          tpu.vector_store_idx %scatter3A_302[%iota3A, %broadcast_in_dim3A_300], %broadcast_in_dim3A_105 masked %eq3A_96 : memref<16x64xf32, #tpu.memory_space<vmem>>[vector<16xi32>, vector<16xi32>], vector<16xf32>, vector<16xi1>
          %broadcast_in_dim3A_303 = arith.constant 49 : i32
          %broadcast_in_dim3A_304 = vector.broadcast %broadcast_in_dim3A_303 : i32 to vector<16xi32>
          %scatter3A_305 = arith.constant 0 : i32
          %scatter3A_306 = tpu.memref_slice %arg7[%mul3A_107, %scatter3A_305] : memref<400x64xf32, #tpu.memory_space<vmem>> -> memref<16x64xf32, #tpu.memory_space<vmem>>
          tpu.vector_store_idx %scatter3A_306[%iota3A, %broadcast_in_dim3A_304], %broadcast_in_dim3A_105 masked %eq3A_96 : memref<16x64xf32, #tpu.memory_space<vmem>>[vector<16xi32>, vector<16xi32>], vector<16xf32>, vector<16xi1>
          %broadcast_in_dim3A_307 = arith.constant 50 : i32
          %broadcast_in_dim3A_308 = vector.broadcast %broadcast_in_dim3A_307 : i32 to vector<16xi32>
          %scatter3A_309 = arith.constant 0 : i32
          %scatter3A_310 = tpu.memref_slice %arg7[%mul3A_107, %scatter3A_309] : memref<400x64xf32, #tpu.memory_space<vmem>> -> memref<16x64xf32, #tpu.memory_space<vmem>>
          tpu.vector_store_idx %scatter3A_310[%iota3A, %broadcast_in_dim3A_308], %broadcast_in_dim3A_105 masked %eq3A_96 : memref<16x64xf32, #tpu.memory_space<vmem>>[vector<16xi32>, vector<16xi32>], vector<16xf32>, vector<16xi1>
          %broadcast_in_dim3A_311 = arith.constant 51 : i32
          %broadcast_in_dim3A_312 = vector.broadcast %broadcast_in_dim3A_311 : i32 to vector<16xi32>
          %scatter3A_313 = arith.constant 0 : i32
          %scatter3A_314 = tpu.memref_slice %arg7[%mul3A_107, %scatter3A_313] : memref<400x64xf32, #tpu.memory_space<vmem>> -> memref<16x64xf32, #tpu.memory_space<vmem>>
          tpu.vector_store_idx %scatter3A_314[%iota3A, %broadcast_in_dim3A_312], %broadcast_in_dim3A_105 masked %eq3A_96 : memref<16x64xf32, #tpu.memory_space<vmem>>[vector<16xi32>, vector<16xi32>], vector<16xf32>, vector<16xi1>
          %broadcast_in_dim3A_315 = arith.constant 52 : i32
          %broadcast_in_dim3A_316 = vector.broadcast %broadcast_in_dim3A_315 : i32 to vector<16xi32>
          %scatter3A_317 = arith.constant 0 : i32
          %scatter3A_318 = tpu.memref_slice %arg7[%mul3A_107, %scatter3A_317] : memref<400x64xf32, #tpu.memory_space<vmem>> -> memref<16x64xf32, #tpu.memory_space<vmem>>
          tpu.vector_store_idx %scatter3A_318[%iota3A, %broadcast_in_dim3A_316], %broadcast_in_dim3A_105 masked %eq3A_96 : memref<16x64xf32, #tpu.memory_space<vmem>>[vector<16xi32>, vector<16xi32>], vector<16xf32>, vector<16xi1>
          %broadcast_in_dim3A_319 = arith.constant 53 : i32
          %broadcast_in_dim3A_320 = vector.broadcast %broadcast_in_dim3A_319 : i32 to vector<16xi32>
          %scatter3A_321 = arith.constant 0 : i32
          %scatter3A_322 = tpu.memref_slice %arg7[%mul3A_107, %scatter3A_321] : memref<400x64xf32, #tpu.memory_space<vmem>> -> memref<16x64xf32, #tpu.memory_space<vmem>>
          tpu.vector_store_idx %scatter3A_322[%iota3A, %broadcast_in_dim3A_320], %broadcast_in_dim3A_105 masked %eq3A_96 : memref<16x64xf32, #tpu.memory_space<vmem>>[vector<16xi32>, vector<16xi32>], vector<16xf32>, vector<16xi1>
          %broadcast_in_dim3A_323 = arith.constant 54 : i32
          %broadcast_in_dim3A_324 = vector.broadcast %broadcast_in_dim3A_323 : i32 to vector<16xi32>
          %scatter3A_325 = arith.constant 0 : i32
          %scatter3A_326 = tpu.memref_slice %arg7[%mul3A_107, %scatter3A_325] : memref<400x64xf32, #tpu.memory_space<vmem>> -> memref<16x64xf32, #tpu.memory_space<vmem>>
          tpu.vector_store_idx %scatter3A_326[%iota3A, %broadcast_in_dim3A_324], %broadcast_in_dim3A_105 masked %eq3A_96 : memref<16x64xf32, #tpu.memory_space<vmem>>[vector<16xi32>, vector<16xi32>], vector<16xf32>, vector<16xi1>
          %broadcast_in_dim3A_327 = arith.constant 55 : i32
          %broadcast_in_dim3A_328 = vector.broadcast %broadcast_in_dim3A_327 : i32 to vector<16xi32>
          %scatter3A_329 = arith.constant 0 : i32
          %scatter3A_330 = tpu.memref_slice %arg7[%mul3A_107, %scatter3A_329] : memref<400x64xf32, #tpu.memory_space<vmem>> -> memref<16x64xf32, #tpu.memory_space<vmem>>
          tpu.vector_store_idx %scatter3A_330[%iota3A, %broadcast_in_dim3A_328], %broadcast_in_dim3A_105 masked %eq3A_96 : memref<16x64xf32, #tpu.memory_space<vmem>>[vector<16xi32>, vector<16xi32>], vector<16xf32>, vector<16xi1>
          %broadcast_in_dim3A_331 = arith.constant 56 : i32
          %broadcast_in_dim3A_332 = vector.broadcast %broadcast_in_dim3A_331 : i32 to vector<16xi32>
          %scatter3A_333 = arith.constant 0 : i32
          %scatter3A_334 = tpu.memref_slice %arg7[%mul3A_107, %scatter3A_333] : memref<400x64xf32, #tpu.memory_space<vmem>> -> memref<16x64xf32, #tpu.memory_space<vmem>>
          tpu.vector_store_idx %scatter3A_334[%iota3A, %broadcast_in_dim3A_332], %broadcast_in_dim3A_105 masked %eq3A_96 : memref<16x64xf32, #tpu.memory_space<vmem>>[vector<16xi32>, vector<16xi32>], vector<16xf32>, vector<16xi1>
          %broadcast_in_dim3A_335 = arith.constant 57 : i32
          %broadcast_in_dim3A_336 = vector.broadcast %broadcast_in_dim3A_335 : i32 to vector<16xi32>
          %scatter3A_337 = arith.constant 0 : i32
          %scatter3A_338 = tpu.memref_slice %arg7[%mul3A_107, %scatter3A_337] : memref<400x64xf32, #tpu.memory_space<vmem>> -> memref<16x64xf32, #tpu.memory_space<vmem>>
          tpu.vector_store_idx %scatter3A_338[%iota3A, %broadcast_in_dim3A_336], %broadcast_in_dim3A_105 masked %eq3A_96 : memref<16x64xf32, #tpu.memory_space<vmem>>[vector<16xi32>, vector<16xi32>], vector<16xf32>, vector<16xi1>
          %broadcast_in_dim3A_339 = arith.constant 58 : i32
          %broadcast_in_dim3A_340 = vector.broadcast %broadcast_in_dim3A_339 : i32 to vector<16xi32>
          %scatter3A_341 = arith.constant 0 : i32
          %scatter3A_342 = tpu.memref_slice %arg7[%mul3A_107, %scatter3A_341] : memref<400x64xf32, #tpu.memory_space<vmem>> -> memref<16x64xf32, #tpu.memory_space<vmem>>
          tpu.vector_store_idx %scatter3A_342[%iota3A, %broadcast_in_dim3A_340], %broadcast_in_dim3A_105 masked %eq3A_96 : memref<16x64xf32, #tpu.memory_space<vmem>>[vector<16xi32>, vector<16xi32>], vector<16xf32>, vector<16xi1>
          %broadcast_in_dim3A_343 = arith.constant 59 : i32
          %broadcast_in_dim3A_344 = vector.broadcast %broadcast_in_dim3A_343 : i32 to vector<16xi32>
          %scatter3A_345 = arith.constant 0 : i32
          %scatter3A_346 = tpu.memref_slice %arg7[%mul3A_107, %scatter3A_345] : memref<400x64xf32, #tpu.memory_space<vmem>> -> memref<16x64xf32, #tpu.memory_space<vmem>>
          tpu.vector_store_idx %scatter3A_346[%iota3A, %broadcast_in_dim3A_344], %broadcast_in_dim3A_105 masked %eq3A_96 : memref<16x64xf32, #tpu.memory_space<vmem>>[vector<16xi32>, vector<16xi32>], vector<16xf32>, vector<16xi1>
          %broadcast_in_dim3A_347 = arith.constant 60 : i32
          %broadcast_in_dim3A_348 = vector.broadcast %broadcast_in_dim3A_347 : i32 to vector<16xi32>
          %scatter3A_349 = arith.constant 0 : i32
          %scatter3A_350 = tpu.memref_slice %arg7[%mul3A_107, %scatter3A_349] : memref<400x64xf32, #tpu.memory_space<vmem>> -> memref<16x64xf32, #tpu.memory_space<vmem>>
          tpu.vector_store_idx %scatter3A_350[%iota3A, %broadcast_in_dim3A_348], %broadcast_in_dim3A_105 masked %eq3A_96 : memref<16x64xf32, #tpu.memory_space<vmem>>[vector<16xi32>, vector<16xi32>], vector<16xf32>, vector<16xi1>
          %broadcast_in_dim3A_351 = arith.constant 61 : i32
          %broadcast_in_dim3A_352 = vector.broadcast %broadcast_in_dim3A_351 : i32 to vector<16xi32>
          %scatter3A_353 = arith.constant 0 : i32
          %scatter3A_354 = tpu.memref_slice %arg7[%mul3A_107, %scatter3A_353] : memref<400x64xf32, #tpu.memory_space<vmem>> -> memref<16x64xf32, #tpu.memory_space<vmem>>
          tpu.vector_store_idx %scatter3A_354[%iota3A, %broadcast_in_dim3A_352], %broadcast_in_dim3A_105 masked %eq3A_96 : memref<16x64xf32, #tpu.memory_space<vmem>>[vector<16xi32>, vector<16xi32>], vector<16xf32>, vector<16xi1>
          %broadcast_in_dim3A_355 = arith.constant 62 : i32
          %broadcast_in_dim3A_356 = vector.broadcast %broadcast_in_dim3A_355 : i32 to vector<16xi32>
          %scatter3A_357 = arith.constant 0 : i32
          %scatter3A_358 = tpu.memref_slice %arg7[%mul3A_107, %scatter3A_357] : memref<400x64xf32, #tpu.memory_space<vmem>> -> memref<16x64xf32, #tpu.memory_space<vmem>>
          tpu.vector_store_idx %scatter3A_358[%iota3A, %broadcast_in_dim3A_356], %broadcast_in_dim3A_105 masked %eq3A_96 : memref<16x64xf32, #tpu.memory_space<vmem>>[vector<16xi32>, vector<16xi32>], vector<16xf32>, vector<16xi1>
          %broadcast_in_dim3A_359 = arith.constant 63 : i32
          %broadcast_in_dim3A_360 = vector.broadcast %broadcast_in_dim3A_359 : i32 to vector<16xi32>
          %scatter3A_361 = arith.constant 0 : i32
          %scatter3A_362 = tpu.memref_slice %arg7[%mul3A_107, %scatter3A_361] : memref<400x64xf32, #tpu.memory_space<vmem>> -> memref<16x64xf32, #tpu.memory_space<vmem>>
          tpu.vector_store_idx %scatter3A_362[%iota3A, %broadcast_in_dim3A_360], %broadcast_in_dim3A_105 masked %eq3A_96 : memref<16x64xf32, #tpu.memory_space<vmem>>[vector<16xi32>, vector<16xi32>], vector<16xf32>, vector<16xi1>
        } else {
        }
      }
      %scan3A_81 = arith.constant 25 : i32
      %scan3A_82 = arith.constant 0 : i32
      %scan3A_83 = arith.constant 200 : i32
      %scan3A_84 = arith.addi %scan3A_82, %scan3A_83 : i32
      %scan3A_85 = arith.constant 1 : i32
      scf.for %scan3A_87 = %scan3A_82 to %scan3A_84 step %scan3A_85  : i32 {
        %mul3A_88 = arith.constant 1 : i32
        %mul3A_89 = arith.muli %scan3A_87, %mul3A_88 : i32
        %add3A_90 = arith.constant 0 : i32
        %add3A_91 = arith.addi %add3A_90, %mul3A_89 : i32
        %add3A_92 = arith.constant 0 : i32
        %add3A_93 = arith.addi %add3A_92, %add3A_91 : i32
        %get3A = arith.index_cast %add3A_91 : i32 to index
        %get3A_94 = arith.constant 0 : index
        %get3A_95 = tpu.vector_load %arg8[%get3A, %get3A_94] {strides = array<i32>} : memref<200x64xf32, #tpu.memory_space<vmem>>, vector<16xf32>,
        %swap3A = arith.index_cast %add3A_93 : i32 to index
        %swap3A_96 = arith.constant 0 : index
        %swap3A_97 = tpu.vector_load %arg7[%swap3A, %swap3A_96] {strides = array<i32>} : memref<400x64xf32, #tpu.memory_space<vmem>>, vector<16xf32>,
        tpu.vector_store %arg7[%swap3A, %swap3A_96], %get3A_95 {add = true, strides = array<i32>} : memref<400x64xf32, #tpu.memory_space<vmem>>, vector<16xf32>,
        %get3A_98 = arith.index_cast %add3A_91 : i32 to index
        %get3A_99 = arith.constant 16 : index
        %get3A_100 = tpu.vector_load %arg8[%get3A_98, %get3A_99] {strides = array<i32>} : memref<200x64xf32, #tpu.memory_space<vmem>>, vector<16xf32>,
        %swap3A_101 = arith.index_cast %add3A_93 : i32 to index
        %swap3A_102 = arith.constant 16 : index
        %swap3A_103 = tpu.vector_load %arg7[%swap3A_101, %swap3A_102] {strides = array<i32>} : memref<400x64xf32, #tpu.memory_space<vmem>>, vector<16xf32>,
        tpu.vector_store %arg7[%swap3A_101, %swap3A_102], %get3A_100 {add = true, strides = array<i32>} : memref<400x64xf32, #tpu.memory_space<vmem>>, vector<16xf32>,
        %get3A_104 = arith.index_cast %add3A_91 : i32 to index
        %get3A_105 = arith.constant 32 : index
        %get3A_106 = tpu.vector_load %arg8[%get3A_104, %get3A_105] {strides = array<i32>} : memref<200x64xf32, #tpu.memory_space<vmem>>, vector<16xf32>,
        %swap3A_107 = arith.index_cast %add3A_93 : i32 to index
        %swap3A_108 = arith.constant 32 : index
        %swap3A_109 = tpu.vector_load %arg7[%swap3A_107, %swap3A_108] {strides = array<i32>} : memref<400x64xf32, #tpu.memory_space<vmem>>, vector<16xf32>,
        tpu.vector_store %arg7[%swap3A_107, %swap3A_108], %get3A_106 {add = true, strides = array<i32>} : memref<400x64xf32, #tpu.memory_space<vmem>>, vector<16xf32>,
        %get3A_110 = arith.index_cast %add3A_91 : i32 to index
        %get3A_111 = arith.constant 48 : index
        %get3A_112 = tpu.vector_load %arg8[%get3A_110, %get3A_111] {strides = array<i32>} : memref<200x64xf32, #tpu.memory_space<vmem>>, vector<16xf32>,
        %swap3A_113 = arith.index_cast %add3A_93 : i32 to index
        %swap3A_114 = arith.constant 48 : index
        %swap3A_115 = tpu.vector_load %arg7[%swap3A_113, %swap3A_114] {strides = array<i32>} : memref<400x64xf32, #tpu.memory_space<vmem>>, vector<16xf32>,
        tpu.vector_store %arg7[%swap3A_113, %swap3A_114], %get3A_112 {add = true, strides = array<i32>} : memref<400x64xf32, #tpu.memory_space<vmem>>, vector<16xf32>,
        %add3A_116 = arith.constant 200 : i32
        %add3A_117 = arith.addi %add3A_116, %add3A_91 : i32
        %get3A_118 = arith.index_cast %add3A_91 : i32 to index
        %get3A_119 = arith.constant 0 : index
        %get3A_120 = tpu.vector_load %arg8[%get3A_118, %get3A_119] {strides = array<i32>} : memref<200x64xf32, #tpu.memory_space<vmem>>, vector<16xf32>,
        %swap3A_121 = arith.index_cast %add3A_117 : i32 to index
        %swap3A_122 = arith.constant 0 : index
        %swap3A_123 = tpu.vector_load %arg7[%swap3A_121, %swap3A_122] {strides = array<i32>} : memref<400x64xf32, #tpu.memory_space<vmem>>, vector<16xf32>,
        tpu.vector_store %arg7[%swap3A_121, %swap3A_122], %get3A_120 {add = true, strides = array<i32>} : memref<400x64xf32, #tpu.memory_space<vmem>>, vector<16xf32>,
        %get3A_124 = arith.index_cast %add3A_91 : i32 to index
        %get3A_125 = arith.constant 16 : index
        %get3A_126 = tpu.vector_load %arg8[%get3A_124, %get3A_125] {strides = array<i32>} : memref<200x64xf32, #tpu.memory_space<vmem>>, vector<16xf32>,
        %swap3A_127 = arith.index_cast %add3A_117 : i32 to index
        %swap3A_128 = arith.constant 16 : index
        %swap3A_129 = tpu.vector_load %arg7[%swap3A_127, %swap3A_128] {strides = array<i32>} : memref<400x64xf32, #tpu.memory_space<vmem>>, vector<16xf32>,
        tpu.vector_store %arg7[%swap3A_127, %swap3A_128], %get3A_126 {add = true, strides = array<i32>} : memref<400x64xf32, #tpu.memory_space<vmem>>, vector<16xf32>,
        %get3A_130 = arith.index_cast %add3A_91 : i32 to index
        %get3A_131 = arith.constant 32 : index
        %get3A_132 = tpu.vector_load %arg8[%get3A_130, %get3A_131] {strides = array<i32>} : memref<200x64xf32, #tpu.memory_space<vmem>>, vector<16xf32>,
        %swap3A_133 = arith.index_cast %add3A_117 : i32 to index
        %swap3A_134 = arith.constant 32 : index
        %swap3A_135 = tpu.vector_load %arg7[%swap3A_133, %swap3A_134] {strides = array<i32>} : memref<400x64xf32, #tpu.memory_space<vmem>>, vector<16xf32>,
        tpu.vector_store %arg7[%swap3A_133, %swap3A_134], %get3A_132 {add = true, strides = array<i32>} : memref<400x64xf32, #tpu.memory_space<vmem>>, vector<16xf32>,
        %get3A_136 = arith.index_cast %add3A_91 : i32 to index
        %get3A_137 = arith.constant 48 : index
        %get3A_138 = tpu.vector_load %arg8[%get3A_136, %get3A_137] {strides = array<i32>} : memref<200x64xf32, #tpu.memory_space<vmem>>, vector<16xf32>,
        %swap3A_139 = arith.index_cast %add3A_117 : i32 to index
        %swap3A_140 = arith.constant 48 : index
        %swap3A_141 = tpu.vector_load %arg7[%swap3A_139, %swap3A_140] {strides = array<i32>} : memref<400x64xf32, #tpu.memory_space<vmem>>, vector<16xf32>,
        tpu.vector_store %arg7[%swap3A_139, %swap3A_140], %get3A_138 {add = true, strides = array<i32>} : memref<400x64xf32, #tpu.memory_space<vmem>>, vector<16xf32>,
      }
      %scan3A_86 = arith.constant 200 : i32
      "tpu.region"() ({
        %run_scoped3A = tpu.sem_alloc : memref<!tpu.dma_semaphore, #tpu.memory_space<semaphore_mem>>
        %dma_start3A_87 = arith.constant 0 : i32
        %dma_start3A_88 = tpu.memref_slice %arg5[%add3A_14, %dma_start3A_87] : memref<819200x64xf32, #tpu.memory_space<hbm>> -> memref<400x64xf32, #tpu.memory_space<hbm>>
        %dma_start3A_89 = arith.constant 0 : i32
        %dma_start3A_90 = tpu.memref_slice %arg5[%add3A_14, %dma_start3A_89] : memref<819200x64xf32, #tpu.memory_space<hbm>> -> memref<400x64xf32, #tpu.memory_space<hbm>>
        tpu.enqueue_dma source(%arg7 : memref<400x64xf32, #tpu.memory_space<vmem>>) target(%dma_start3A_90 : memref<400x64xf32, #tpu.memory_space<hbm>>) target_semaphore(%run_scoped3A : memref<!tpu.dma_semaphore, #tpu.memory_space<semaphore_mem>>)
        %dma_wait3A_91 = arith.constant 0 : i32
        %dma_wait3A_92 = tpu.memref_slice %arg5[%add3A_14, %dma_wait3A_91] : memref<819200x64xf32, #tpu.memory_space<hbm>> -> memref<400x64xf32, #tpu.memory_space<hbm>>
        %dma_wait3A_93 = arith.constant 0 : i32
        %dma_wait3A_94 = tpu.memref_slice %arg5[%add3A_14, %dma_wait3A_93] : memref<819200x64xf32, #tpu.memory_space<hbm>> -> memref<400x64xf32, #tpu.memory_space<hbm>>
        tpu.wait_dma2 semaphore(%run_scoped3A : memref<!tpu.dma_semaphore, #tpu.memory_space<semaphore_mem>>) src(%arg7 : memref<400x64xf32, #tpu.memory_space<vmem>>) dst(%dma_wait3A_94 : memref<400x64xf32, #tpu.memory_space<hbm>>)
        tpu.yield
      }) : () -> ()
    }
    %scan3A_6 = arith.constant 64 : i32
    return
  }
}

</mosaic_0001>

<sc_bundles>
// kernel: _emb_call.3.cloned.1.call-start
scs
__scs_entry_jumppad:
0x0: {  	(pc) =	sbr.rel $0x88, $3  }
0x1: {  	(tag) =	ssettag $0x0;
	lr =	simm.s32 $0x1  }
0x2: {  	[smem:$0x3F9E] =	sst lr;
	_ =	strace $0xD0000000  }
0x3: {  	_ = 	snop  }
0x4: {  	_ = 	snop  }
0x5: {  	_ = 	snop  }
0x6: {  	_ = 	snop  }
0x7: {  	_ = 	snop  }
__scs_overlays_trampoline_lowered:
0x8: {  	[smem:$0x3FAD] =	sst s0  }
0x9: {  	[smem:$0x3FAE] =	sst s1  }
0xa: {  	[smem:$0x3FAF] =	sst s2  }
0xb: {  	[smem:$0x3FB0] =	sst s3  }
0xc: {  	[smem:$0x3FB1] =	sst s4  }
0xd: {  	[smem:$0x3FB2] =	sst s5  }
0xe: {  	[smem:$0x3FB3] =	sst s6  }
0xf: {  	[smem:$0x3FB4] =	sst s7  }
0x10: {  	[smem:$0x3FB5] =	sst s8  }
0x11: {  	[smem:$0x3FB6] =	sst s9;
	s0 =	simm.s32 @!p0 $0x0  }
0x12: {  	s1 =	sld [smem:$0x3F9C];
	s0 =	simm.s32 @p0 $0x1  }
0x13: {  	[smem:$0x3FB7] =	sst s0;
	s0 =	simm.s32 @!p1 $0x0  }
0x14: {  	s2 =	sld [smem:$0x3F9B];
	s0 =	simm.s32 @p1 $0x1  }
0x15: {  	[smem:$0x3FB8] =	sst s0;
	s0 =	simm.s32 @!p2 $0x0  }
0x16: {  	s3 =	sld [smem:$0x3FDB];
	s0 =	simm.s32 @p2 $0x1  }
0x17: {  	s4 =	simm.s32 $0x1BF5;
	[smem:$0x3FBA] =	sst s0  }
0x18: {  	s0 =	sld [smem:$0x3F9D];
	_ =	swait.ge [sflag:s4], $0x0  }
0x19: {  	s7 =	sld [smem:$0x3F9E]  }
0x1a: {  	s8 =	sadd.s32 $0xFFFFE003, lr  }
0x1b: {  	s9 =	sadd.s32 $0xFFFFFEF7, lr;
	s5 =	simm.s32 $0xFFFFFFFF;
	p2 =	slt.u32 s8, $0xFFFFF086  }
0x1c: {  	p1 =	slt.u32 s9, $0xF7A;
	s5 =	simm.s32 @!p2 $0x0  }
0x1d: {  	s5 =	simm.s32 @p1 $0x1;
	p0 =	seq.s32 s7, s2  }
0x1e: {  	s7 =	smul.u32 @!p0 $0xF7A, s2;
	p2 =	seq.s32 @!p0 s5, $0x0  }
0x1f: {  	s9 =	smul.u32 $0xF7A, s1;
	s8 =	simm.s32 @!p0 $0x1BF5;
	p2 =	por !p2, p0  }
0x20: {  	[sflag:s8] =	ssyncset.s32 @!p0 $0xFFFFF086;
	s6 =	sadd.s32 @!p0 s3, s7;
	s7 =	simm.s32 @!p0 $0x108  }
0x21: {  	s3 =	sadd.s32 s3, s9;
	s6 =	sadd.s32 @!p0 $0x88, s6;
	s7 =	simm.s32 @p2 $0x1082  }
0x22: {  	[simem:s7], [sflag:s8] =	dma.local @!p0 [hbm:s6], $0xF7A  }
0x23: {  	s9 =	sor.u32 $0xD0000000, s2;
	s6 =	simm.s32 $0x108;
	_ =	swait.ge @!p0 [sflag:s8], $0x0  }
0x24: {  	s3 =	sadd.s32 $0x88, s3;
	s6 =	simm.s32 @!p1 $0x1082;
	[sflag:s4] =	ssyncset.s32 $0xFFFFF086  }
0x25: {  	[simem:s6], [sflag:s4] =	dma.local [hbm:s3], $0xF7A  }
0x26: {  	[smem:$0x3F9E] =	sst s1;
	(tag) =	ssettag s2;
	_ =	strace s9  }
0x27: {  	s1 =	sld [smem:$0x3FAE]  }
0x28: {  	s2 =	sld [smem:$0x3FAF]  }
0x29: {  	s4 =	sld [smem:$0x3FB1]  }
0x2a: {  	p0 =	seq.s32 s5, $0x0;
	s5 =	sld [smem:$0x3FB2]  }
0x2b: {  	s6 =	sld [smem:$0x3FB3]  }
0x2c: {  	s7 =	sld [smem:$0x3FB4]  }
0x2d: {  	s3 =	simm.s32 $0x108;
	s8 =	sld [smem:$0x3FB5]  }
0x2e: {  	s3 =	simm.s32 @!p0 $0x1082;
	s9 =	sld [smem:$0x3FB6]  }
0x2f: {  	lr =	sadd.s32 s0, s3;
	s0 =	sld [smem:$0x3FAD]  }
0x30: {  	s3 =	sld [smem:$0x3FB0]  }
0x31: {  	[smem:$0x3FB9] =	sst s10  }
0x32: {  	s10 =	sld [smem:$0x3FB7];
	_ =	sdelay $0x3  }
0x33: {  	p0 =	seq.s32 s10, $0x1;
	s10 =	sld [smem:$0x3FB9];
	_ =	sdelay $0x3  }
0x34: {  	[smem:$0x3FB9] =	sst s10  }
0x35: {  	s10 =	sld [smem:$0x3FB8];
	_ =	sdelay $0x3  }
0x36: {  	p1 =	seq.s32 s10, $0x1;
	s10 =	sld [smem:$0x3FB9];
	_ =	sdelay $0x3  }
0x37: {  	[smem:$0x3FB9] =	sst s10  }
0x38: {  	s10 =	sld [smem:$0x3FBA]  }
0x39: {  	_ = 	snop;
	(pc) =	sbr.ind lr, $3  }
0x3a: {  	_ = 	snop  }
0x3b: {  	_ = 	snop  }
0x3c: {  	p2 =	seq.s32 s10, $0x1;
	s10 =	sld [smem:$0x3FB9]  }
0x3d: {  	_ =	shalt  }
0x3e: {  	_ =	shalt  }
0x3f: {  	_ =	shalt  }
0x40: {  	_ =	shalt  }
0x41: {  	_ =	shalt  }
0x42: {  	_ =	shalt  }
0x43: {  	_ =	shalt  }
0x44: {  	_ =	shalt  }
0x45: {  	_ =	shalt  }
0x46: {  	_ =	shalt  }
0x47: {  	_ =	shalt  }
0x48: {  	_ =	shalt  }
0x49: {  	_ =	shalt  }
0x4a: {  	_ =	shalt  }
0x4b: {  	_ =	shalt  }
0x4c: {  	_ =	shalt  }
0x4d: {  	_ =	shalt  }
0x4e: {  	_ =	shalt  }
0x4f: {  	_ =	shalt  }
0x50: {  	_ =	shalt  }
0x51: {  	_ =	shalt  }
0x52: {  	_ =	shalt  }
0x53: {  	_ =	shalt  }
0x54: {  	_ =	shalt  }
0x55: {  	_ =	shalt  }
0x56: {  	_ =	shalt  }
0x57: {  	_ =	shalt  }
0x58: {  	_ =	shalt  }
0x59: {  	_ =	shalt  }
0x5a: {  	_ =	shalt  }
0x5b: {  	_ =	shalt  }
0x5c: {  	_ =	shalt  }
0x5d: {  	_ =	shalt  }
0x5e: {  	_ =	shalt  }
0x5f: {  	_ =	shalt  }
0x60: {  	_ =	shalt  }
0x61: {  	_ =	shalt  }
0x62: {  	_ =	shalt  }
0x63: {  	_ =	shalt  }
0x64: {  	_ =	shalt  }
0x65: {  	_ =	shalt  }
0x66: {  	_ =	shalt  }
0x67: {  	_ =	shalt  }
0x68: {  	_ =	shalt  }
0x69: {  	_ =	shalt  }
0x6a: {  	_ =	shalt  }
0x6b: {  	_ =	shalt  }
0x6c: {  	_ =	shalt  }
0x6d: {  	_ =	shalt  }
0x6e: {  	_ =	shalt  }
0x6f: {  	_ =	shalt  }
0x70: {  	_ =	shalt  }
0x71: {  	_ =	shalt  }
0x72: {  	_ =	shalt  }
0x73: {  	_ =	shalt  }
0x74: {  	_ =	shalt  }
0x75: {  	_ =	shalt  }
0x76: {  	_ =	shalt  }
0x77: {  	_ =	shalt  }
0x78: {  	_ =	shalt  }
0x79: {  	_ =	shalt  }
0x7a: {  	_ =	shalt  }
0x7b: {  	_ =	shalt  }
0x7c: {  	_ =	shalt  }
0x7d: {  	_ =	shalt  }
0x7e: {  	_ =	shalt  }
0x7f: {  	_ =	shalt  }
0x80: {  	_ =	shalt  }
0x81: {  	_ =	shalt  }
0x82: {  	_ =	shalt  }
0x83: {  	_ =	shalt  }
0x84: {  	_ =	shalt  }
0x85: {  	_ =	shalt  }
0x86: {  	_ =	shalt  }
0x87: {  	_ =	shalt  }
.Lfunc_end0:
.L_simem_size_0:
called_computation.1_lowered:
.L_overlay_start_0:
0x88: {  	s2 =	sld [smem:$0x3FD9]  }
0x89: {  	s3 =	sld [smem:$0x3FFE];
	_ =	sdelay $0x1  }
0x8a: {  	s1 =	srdreg.scid  }
0x8b: {  	s0 =	sand.u32 $0x1, s1  }
0x8c: {  	s17 =	sshll.u32 s0, $0xA;
	s2 =	sadd.s32 s3, s2  }
0x8d: {  	s2 =	sadd.s32 s2, s17  }
0x8e: {  	[smem:$0x3FC5] =	sst s2  }
0x8f: {  	_ = 	snop  }
0x90: {  	s2 =	sld [smem:$0x3FC9]  }
0x91: {  	s18 =	sld [smem:$0x3FD0];
	(tm) =	ssettm $0x1  }
0x92: {  	s4 =	sld [smem:$0x3FFB];
	_ =	sdelay $0x3  }
0x93: {  	_ =	strace s4  }
0x94: {  	s4 =	sld [smem:$0x3FFC];
	_ =	sdelay $0x3  }
0x95: {  	_ =	strace s4  }
0x96: {  	s4 =	sld [smem:$0x3FFD];
	_ =	sdelay $0x3  }
0x97: {  	_ =	strace s4  }
0x98: {  	_ =	strace $0x8FFFFFFF  }
0x99: {  	s19 =	sld [smem:$0x3FDB];
	_ =	sdelay $0x1  }
0x9a: {  	s5 =	simm.s32 $_scs_section_size  }
0x9b: {  	s6 =	simm.s32 $_size__tile_overlayer_lowered;
	s7 =	simm.s32 $_tile_overlayer_lowered  }
0x9c: {  	s22 =	simm.s32 $0x1BFF;
	s21 =	sshll.u32 s7, $0x1;
	s4 =	sadd.s32 s5, s19  }
0x9d: {  	s8 =	simm.s32 $0x0;
	s20 =	sshll.u32 s6, $0x1;
	s6 =	sadd.s32 s21, s4  }
0x9e: {  	[timem:s8], [sflag:s22] =	dma.local [hbm:s6], s20  }
0x9f: {  	_ =	swait.ge [sflag:s22], s20  }
0xa0: {  	s5 =	ssub.s32 $0x0, s20;
	[sflag:s22] =	ssyncset.done $0x0  }
0xa1: {  	[sflag:s22] =	ssyncadd.s32 s5;
	_ =	sdelay $0x1  }
0xa2: {  	s23 =	simm.s32 $0x1B8B  }
0xa3: {  	_ =	swait.ge [sflag:s23], $0x1  }
0xa4: {  	[sflag:s23] =	ssyncset.done $0x0  }
0xa5: {  	s25 =	simm.s32 $0x1B8E;
	s24 =	sld [smem:$0x3FFE];
	[sflag:s23] =	ssyncadd.s32 $0xFFFFFFFF  }
0xa6: {  	s26 =	simm.s32 $execute0_lowered;
	[smem:$0x3FD2] =	sst s25  }
0xa7: {  	s6 =	sshll.u32 s26, $0x1;
	_ =	strace $0x80000046;
	[dreg:$0x1] =	wrdreg $0xFFFFFFFF  }
0xa8: {  	s28 =	simm.s32 $_size_execute0_lowered;
	s4 =	sadd.s32 s4, s6;
	[dreg:$0x0] =	wrdreg $0x0  }
0xa9: {  	s6 =	sshll.u32 s28, $0x1;
	[dreg:$0x2] =	wrdreg s4  }
0xaa: {  	[dreg:$0x3] =	wrdreg s6  }
0xab: {  	[dreg:$0x4] =	wrdreg $0xC0  }
0xac: {  	_ =	task [dreg:s8], $0x5FFFF  }
0xad: {  	[dreg:$0x1] =	wrdreg $0xFFFFFFFF  }
0xae: {  	[dreg:$0x0] =	wrdreg $0x60  }
0xaf: {  	[dreg:$0x2] =	wrdreg s2  }
0xb0: {  	[dreg:$0x3] =	wrdreg s24  }
0xb1: {  	[dreg:$0x4] =	wrdreg s18  }
0xb2: {  	[dreg:$0x5] =	wrdreg $0x9  }
0xb3: {  	_ =	task.clear_ibuf [dreg:s8], $0x6FFFF;
	_ =	strace $0x90000046  }
0xb4: {  	s29 =	simm.s32 $0x9;
	_ =	strace $0x80000048  }
0xb5: {  	_ =	swait.ge [sflag:s29], $0x1  }
0xb6: {  	[sflag:s29] =	ssyncadd.s32 $0xFFFFFFFF  }
0xb7: {  	_ =	strace $0x90000048  }
0xb8: {  	_ =	sfence  }
0xb9: {  	s30 =	sld [smem:$0x0];
	_ =	sdelay $0x2  }
0xba: {  	s31 =	sshll.u32 s1, $0xD;
	s1 =	sshrl.u32 s1, $0x2  }
0xbb: {  	s3 =	sand.u32 $0x4000, s31;
	s1 =	sadd.s32 s1, s30  }
0xbc: {  	s0 =	sor.u32 s3, s0;
	s1 =	sshll.u32 s1, $0x11  }
0xbd: {  	s0 =	sor.u32 s1, s0  }
0xbe: {  	s0 =	sadd.s32 $0x8F2B, s0  }
0xbf: {  	[sflag:s0] =	ssyncadd.remote.s32 $0x1  }
0xc0: {  	_ =	sfence.sel $0xFFFF  }
0xc1: {  	[dreg:$0x0] =	wrdreg $0xFFFFFFFF;
	(pc) =	sbr.abs _section_cstart, $3  }
0xc2: {  	[dreg:$0x1] =	wrdreg $0xFFFFFFFF  }
0xc3: {  	_ =	task.clear_ibuf [dreg:s8], $0x2FFFF;
	_ =	strace $0x9FFFFFFF  }
0xc4: {  	(tm) =	ssettm $0x7FFFFFFF  }
0xc5: {  	_ =	shalt  }
tec
execute0_lowered:
.L_overlay_start_1:
0x0: {  	(tag) =	ssettag $0x1  }
0x1: {  	v0 =	vlaneseq.u32  }
0x2: {  	v0 =	vmul.u32 $0x40, v0  }
0x3: {  	v4 =	vimm.s32 $0x0;
	v2 =	vimm.f32 $0.0e+00  }
0x4: {  	v5 =	vor.u32 $0x1, v0;
	v6 =	vor.u32 $0x2, v0;
	v7 =	vor.u32 $0x3, v0  }
0x5: {  	v1 =	vor.u32 $0x4, v0;
	v8 =	vor.u32 $0x6, v0;
	v9 =	vor.u32 $0x7, v0  }
0x6: {  	v10 =	vor.u32 $0x8, v0;
	v11 =	vor.u32 $0x9, v0;
	v12 =	vor.u32 $0xA, v0  }
0x7: {  	v13 =	vor.u32 $0xB, v0;
	v14 =	vor.u32 $0xC, v0;
	v15 =	vor.u32 $0xD, v0  }
0x8: {  	v16 =	vor.u32 $0xE, v0;
	v17 =	vor.u32 $0xF, v0;
	v18 =	vor.u32 $0x10, v0  }
0x9: {  	v19 =	vor.u32 $0x11, v0;
	v20 =	vor.u32 $0x12, v0;
	v21 =	vor.u32 $0x13, v0  }
0xa: {  	v22 =	vor.u32 $0x14, v0;
	v23 =	vor.u32 $0x15, v0;
	v24 =	vor.u32 $0x16, v0  }
0xb: {  	v25 =	vor.u32 $0x17, v0;
	v26 =	vor.u32 $0x18, v0;
	v27 =	vor.u32 $0x19, v0  }
0xc: {  	s0 =	rddreg [dreg:$0x0];
	v28 =	vor.u32 $0x1A, v0;
	v29 =	vor.u32 $0x1B, v0;
	v30 =	vor.u32 $0x1C, v0  }
0xd: {  	s6 =	rddreg [dreg:$0x1];
	v31 =	vor.u32 $0x1D, v0;
	v32 =	vor.u32 $0x1E, v0;
	v33 =	vor.u32 $0x1F, v0  }
0xe: {  	s2 =	rddreg [dreg:$0x2];
	s4 =	srdreg.scid;
	v34 =	vor.u32 $0x20, v0;
	v35 =	vor.u32 $0x21, v0;
	v36 =	vor.u32 $0x22, v0  }
0xf: {  	s1 =	rddreg [dreg:$0x3];
	s3 =	simm.s32 $0x0;
	s11 =	simm.s32 $0x80;
	v37 =	vor.u32 $0x23, v0;
	v38 =	vor.u32 $0x24, v0;
	v39 =	vor.u32 $0x25, v0  }
0x10: {  	s12 =	simm.s32 $0x2190;
	s13 =	simm.s32 $0x100;
	s14 =	simm.s32 $0x4190;
	v40 =	vor.u32 $0x26, v0;
	v41 =	vor.u32 $0x27, v0;
	v42 =	vor.u32 $0x28, v0  }
0x11: {  	s15 =	simm.s32 $0x10;
	s16 =	simm.s32 $0x180;
	s17 =	simm.s32 $0x6190;
	v43 =	vor.u32 $0x29, v0;
	v44 =	vor.u32 $0x2A, v0;
	v45 =	vor.u32 $0x2B, v0  }
0x12: {  	s18 =	simm.s32 $0x1;
	s19 =	simm.s32 $0x190;
	s20 =	simm.s32 $0x0;
	v46 =	vor.u32 $0x2C, v0;
	v47 =	vor.u32 $0x2D, v0;
	v48 =	vor.u32 $0x2E, v0  }
0x13: {  	s7 =	sand.u32 $0x1, s4;
	[smem:$0x7FF] =	sst s3;
	s5 =	sadd.s32 $0xF42E00, s6;
	v49 =	vor.u32 $0x2F, v0;
	v50 =	vor.u32 $0x30, v0;
	[tilespmem:$0x1FFB0] =	vst v1;
	v1 =	vor.u32 $0x5, v0  }
0x14: {  	s4 =	stileid.u32;
	s6 =	sadd.s32 $0xA00, s6;
	s8 =	ssub.s32 $0x2, s7;
	v51 =	vor.u32 $0x31, v0;
	v52 =	vor.u32 $0x32, v0;
	v53 =	vor.u32 $0x33, v0;
	[tilespmem:$0x1FFC0] =	vst v1  }
0x15: {  	s10 =	sshll.u32 s4, $0x1;
	s9 =	sshrl.u32 s8, $0x1;
	v54 =	vor.u32 $0x34, v0;
	v55 =	vor.u32 $0x35, v0;
	v56 =	vor.u32 $0x36, v0;
	_ =	strace $0x80000047;
	[tilespmem:$0x1FFD0] =	vst v5  }
0x16: {  	s7 =	sor.u32 s7, s10;
	s10 =	simm.s32 $0x2;
	v57 =	vor.u32 $0x37, v0;
	v58 =	vor.u32 $0x38, v0;
	v59 =	vor.u32 $0x39, v0;
	s8 =	ssub.s32 s8, s9;
	[tilespmem:$0x1FFE0] =	vst v6  }
0x17: {  	v60 =	vor.u32 $0x3A, v0;
	v61 =	vor.u32 $0x3B, v0;
	v62 =	vor.u32 $0x3C, v0;
	s7 =	smul.u32 $0x6400, s7;
	s9 =	simm.s32 $0x6590;
	s8 =	smax.u32 s8, $0x1;
	[tilespmem:$0x1FFF0] =	vst v7  }
.LBB2_1:
0x18: {  	[tilespmem:s9], [sflag:$0x2] =	stream.linear.gather [hbm4b:s6+s3], $0x3200, $0x38;
	[tilespmem:$0x9790] =	vst v63  }
0x19: {  	_ =	swait.ge [sflag:s10], $0x3200  }
0x1a: {  	[sflag:s10] =	ssyncset.done $0x0  }
0x1b: {  	s21 =	simm.s32 $0x0;
	[sflag:s10] =	ssyncadd.s32 $0xFFFFCE00  }
.LBB2_2:
0x1c: {  	s22 =	smul.u32 $0x190, s21;
	_ =	sdelay $0x1  }
0x1d: {  	s22 =	sadd.s32 s7, s22  }
0x1e: {  	s23 =	sshrl.u32 s22, $0x3  }
0x1f: {  	s24 =	sadd.s32 s0, s23;
	s23 =	simm.s32 $0x0  }
0x20: {  	[tilespmem:s23], [sflag:$0x2] =	stream.linear.gather [hbm4b:s24+s23], $0x190, $0x38;
	[tilespmem:$0x9790] =	vst v63  }
0x21: {  	_ =	swait.ge [sflag:s10], $0x190  }
0x22: {  	[sflag:s10] =	ssyncset.done $0x0  }
0x23: {  	s24 =	simm.s32 $0x190;
	[sflag:s10] =	ssyncadd.s32 $0xFFFFFE70  }
0x24: {  	[tilespmem:s24], [sflag:$0x1] =	stream.indirect.gather [hbm4b:s5+s11], $0x40, s23, s11, $0xb8;
	[tilespmem:$0x9790] =	vst v63  }
0x25: {  	_ = 	snop  }
0x26: {  	[tilespmem:s12], [sflag:$0x1] =	stream.indirect.gather [hbm4b:s5+s11], $0x40, s11, s11, $0xb8;
	[tilespmem:$0x9790] =	vst v63  }
0x27: {  	_ = 	snop  }
0x28: {  	[tilespmem:s14], [sflag:$0x1] =	stream.indirect.gather [hbm4b:s5+s11], $0x40, s13, s11, $0xb8;
	[tilespmem:$0x9790] =	vst v63  }
0x29: {  	_ = 	snop  }
0x2a: {  	[tilespmem:s17], [sflag:$0x1] =	stream.indirect.gather [hbm4b:s5+s15], $0x40, s16, s15, $0xb8;
	[tilespmem:$0x9790] =	vst v63  }
0x2b: {  	_ =	swait.ge [sflag:s18], $0x2000  }
0x2c: {  	[sflag:s18] =	ssyncset.done $0x0  }
0x2d: {  	[sflag:s18] =	ssyncadd.s32 $0xFFFFE000  }
0x2e: {  	_ =	swait.ge [sflag:s18], $0x2000  }
0x2f: {  	[sflag:s18] =	ssyncset.done $0x0  }
0x30: {  	[sflag:s18] =	ssyncadd.s32 $0xFFFFE000  }
0x31: {  	_ =	swait.ge [sflag:s18], $0x2000  }
.Ltmp0:
0x32: {  	[sflag:s18] =	ssyncset.done $0x0;
	(pc) =	sbr.rel .LBB2_3-.Ltmp0, $4  }
0x33: {  	[sflag:s18] =	ssyncadd.s32 $0xFFFFE000  }
0x34: {  	_ =	swait.ge [sflag:s18], $0x400  }
0x35: {  	[sflag:s18] =	ssyncset.done $0x0  }
0x36: {  	[sflag:s18] =	ssyncadd.s32 $0xFFFFFC00  }
.LBB2_5:
0x37: {  	s23 =	sadd.s32 $0x40, s23  }
0x38: {  	p0 =	sne.s32 s23, $0x640  }
.Ltmp1:
0x39: {  	_ = 	snop;
	(pc) =	sbr.rel @!p0 .LBB2_6-.Ltmp1, $2  }
0x3a: {  	_ =	sdelay $0x2  }
0x3b: {  	s24 =	sadd.s32 $0x400, s24  }
.LBB2_3:
0x3c: {  	s25 =	sshra.s32 s23, $0x2  }
0x3d: {  	v63 =	vld [tilespmem:s25+$0x0];
	_ =	sdelay $0x4  }
0x3e: {  	vm0 =	veq.s32 v63, $0x0  }
0x3f: {  	v63 =	vsel vm0, $0x1, v4  }
0x40: {  	(xrf0) =	vadd.scan.msk.s32 $0xffff, v63;
	_ =	sdelay $0x5  }
0x41: {  	v63, _, _ =	vpop (xrf0)  }
0x42: {  	(v2sf) =	vpush v63, $0xF;
	_ =	sdelay $0xe  }
0x43: {  	s31 =	spop (v2sf)  }
0x44: {  	p0 =	slt.s32 s31, $0x1  }
.Ltmp2:
0x45: {  	_ = 	snop;
	(pc) =	sbr.rel @p0 .LBB2_5-.Ltmp2, $1  }
0x46: {  	_ =	sdelay $0x3  }
0x47: {  	_ = 	snop  }
0x48: {  	v1 =	vld [tilespmem:$0x1FFB0];
	_ =	sdelay $0x3  }
0x49: {  	[tilespmem:v0+s24+$0x0] =	vst.idx.msk vm0, v2  }
0x4a: {  	[tilespmem:v5+s24+$0x0] =	vst.idx.msk vm0, v2  }
0x4b: {  	[tilespmem:v6+s24+$0x0] =	vst.idx.msk vm0, v2  }
0x4c: {  	[tilespmem:v7+s24+$0x0] =	vst.idx.msk vm0, v2  }
0x4d: {  	[tilespmem:v1+s24+$0x0] =	vst.idx.msk vm0, v2;
	v1 =	vld [tilespmem:$0x1FFC0];
	_ =	sdelay $0x7  }
0x4e: {  	[tilespmem:v1+s24+$0x0] =	vst.idx.msk vm0, v2  }
0x4f: {  	[tilespmem:v8+s24+$0x0] =	vst.idx.msk vm0, v2  }
0x50: {  	[tilespmem:v9+s24+$0x0] =	vst.idx.msk vm0, v2  }
0x51: {  	[tilespmem:v10+s24+$0x0] =	vst.idx.msk vm0, v2  }
0x52: {  	[tilespmem:v11+s24+$0x0] =	vst.idx.msk vm0, v2  }
0x53: {  	[tilespmem:v12+s24+$0x0] =	vst.idx.msk vm0, v2  }
0x54: {  	[tilespmem:v13+s24+$0x0] =	vst.idx.msk vm0, v2  }
0x55: {  	[tilespmem:v14+s24+$0x0] =	vst.idx.msk vm0, v2  }
0x56: {  	[tilespmem:v15+s24+$0x0] =	vst.idx.msk vm0, v2  }
0x57: {  	[tilespmem:v16+s24+$0x0] =	vst.idx.msk vm0, v2  }
0x58: {  	[tilespmem:v17+s24+$0x0] =	vst.idx.msk vm0, v2  }
0x59: {  	[tilespmem:v18+s24+$0x0] =	vst.idx.msk vm0, v2  }
0x5a: {  	[tilespmem:v19+s24+$0x0] =	vst.idx.msk vm0, v2  }
0x5b: {  	[tilespmem:v20+s24+$0x0] =	vst.idx.msk vm0, v2  }
0x5c: {  	[tilespmem:v21+s24+$0x0] =	vst.idx.msk vm0, v2  }
0x5d: {  	[tilespmem:v22+s24+$0x0] =	vst.idx.msk vm0, v2  }
0x5e: {  	[tilespmem:v23+s24+$0x0] =	vst.idx.msk vm0, v2  }
0x5f: {  	[tilespmem:v24+s24+$0x0] =	vst.idx.msk vm0, v2  }
0x60: {  	[tilespmem:v25+s24+$0x0] =	vst.idx.msk vm0, v2  }
0x61: {  	[tilespmem:v26+s24+$0x0] =	vst.idx.msk vm0, v2  }
0x62: {  	[tilespmem:v27+s24+$0x0] =	vst.idx.msk vm0, v2  }
0x63: {  	[tilespmem:v28+s24+$0x0] =	vst.idx.msk vm0, v2  }
0x64: {  	[tilespmem:v29+s24+$0x0] =	vst.idx.msk vm0, v2  }
0x65: {  	[tilespmem:v30+s24+$0x0] =	vst.idx.msk vm0, v2  }
0x66: {  	[tilespmem:v31+s24+$0x0] =	vst.idx.msk vm0, v2  }
0x67: {  	[tilespmem:v32+s24+$0x0] =	vst.idx.msk vm0, v2  }
0x68: {  	[tilespmem:v33+s24+$0x0] =	vst.idx.msk vm0, v2  }
0x69: {  	[tilespmem:v34+s24+$0x0] =	vst.idx.msk vm0, v2  }
0x6a: {  	[tilespmem:v35+s24+$0x0] =	vst.idx.msk vm0, v2  }
0x6b: {  	[tilespmem:v36+s24+$0x0] =	vst.idx.msk vm0, v2  }
0x6c: {  	[tilespmem:v37+s24+$0x0] =	vst.idx.msk vm0, v2  }
0x6d: {  	[tilespmem:v38+s24+$0x0] =	vst.idx.msk vm0, v2  }
0x6e: {  	[tilespmem:v39+s24+$0x0] =	vst.idx.msk vm0, v2  }
0x6f: {  	[tilespmem:v40+s24+$0x0] =	vst.idx.msk vm0, v2  }
0x70: {  	[tilespmem:v41+s24+$0x0] =	vst.idx.msk vm0, v2  }
0x71: {  	[tilespmem:v42+s24+$0x0] =	vst.idx.msk vm0, v2  }
0x72: {  	[tilespmem:v43+s24+$0x0] =	vst.idx.msk vm0, v2  }
0x73: {  	[tilespmem:v44+s24+$0x0] =	vst.idx.msk vm0, v2  }
0x74: {  	[tilespmem:v45+s24+$0x0] =	vst.idx.msk vm0, v2  }
0x75: {  	[tilespmem:v46+s24+$0x0] =	vst.idx.msk vm0, v2  }
0x76: {  	[tilespmem:v47+s24+$0x0] =	vst.idx.msk vm0, v2  }
0x77: {  	[tilespmem:v48+s24+$0x0] =	vst.idx.msk vm0, v2  }
0x78: {  	[tilespmem:v49+s24+$0x0] =	vst.idx.msk vm0, v2  }
0x79: {  	[tilespmem:v50+s24+$0x0] =	vst.idx.msk vm0, v2  }
0x7a: {  	[tilespmem:v51+s24+$0x0] =	vst.idx.msk vm0, v2  }
0x7b: {  	[tilespmem:v52+s24+$0x0] =	vst.idx.msk vm0, v2  }
0x7c: {  	[tilespmem:v53+s24+$0x0] =	vst.idx.msk vm0, v2  }
0x7d: {  	[tilespmem:v54+s24+$0x0] =	vst.idx.msk vm0, v2  }
0x7e: {  	[tilespmem:v55+s24+$0x0] =	vst.idx.msk vm0, v2  }
0x7f: {  	[tilespmem:v56+s24+$0x0] =	vst.idx.msk vm0, v2  }
0x80: {  	[tilespmem:v57+s24+$0x0] =	vst.idx.msk vm0, v2  }
0x81: {  	v63 =	vor.u32 $0x3D, v0;
	[tilespmem:v58+s24+$0x0] =	vst.idx.msk vm0, v2  }
0x82: {  	v1 =	vor.u32 $0x3E, v0;
	[tilespmem:v59+s24+$0x0] =	vst.idx.msk vm0, v2  }
0x83: {  	v3 =	vor.u32 $0x3F, v0;
	[tilespmem:v60+s24+$0x0] =	vst.idx.msk vm0, v2  }
.Ltmp3:
0x84: {  	[tilespmem:v61+s24+$0x0] =	vst.idx.msk vm0, v2;
	(pc) =	sbr.rel .LBB2_5-.Ltmp3, $4  }
0x85: {  	[tilespmem:v62+s24+$0x0] =	vst.idx.msk vm0, v2  }
0x86: {  	[tilespmem:v63+s24+$0x0] =	vst.idx.msk vm0, v2  }
0x87: {  	[tilespmem:v1+s24+$0x0] =	vst.idx.msk vm0, v2  }
0x88: {  	[tilespmem:v3+s24+$0x0] =	vst.idx.msk vm0, v2  }
.LBB2_6:
0x89: {  	s23 =	simm.s32 $0x0;
	s24 =	simm.s32 $0x100  }
.LBB2_7:
0x8a: {  	p0 =	sne.s32 s24, $0xC700;
	v1 =	vld [tilespmem:s23+$0x65C0]  }
0x8b: {  	v3 =	vld [tilespmem:s23+$0x6590]  }
0x8c: {  	v63 =	vld [tilespmem:s23+$0x65A0]  }
0x8d: {  	v4 =	vld [tilespmem:s23+$0x65B0]  }
0x8e: {  	v5 =	vld [tilespmem:s23+$0x65C0]  }
0x8f: {  	[tilespmem:s23+$0x33C0] =	vst.add.f32.msk $0xffff, v1  }
0x90: {  	v1 =	vld [tilespmem:s23+$0x6590]  }
0x91: {  	v6 =	vld [tilespmem:s23+$0x65A0]  }
0x92: {  	v7 =	vld [tilespmem:s23+$0x65B0]  }
0x93: {  	[tilespmem:s23+$0x190] =	vst.add.f32.msk $0xffff, v3  }
0x94: {  	[tilespmem:s23+$0x1A0] =	vst.add.f32.msk $0xffff, v63  }
.Ltmp4:
0x95: {  	[tilespmem:s23+$0x1B0] =	vst.add.f32.msk $0xffff, v4;
	(pc) =	sbr.rel @p0 .LBB2_7-.Ltmp4, $4  }
0x96: {  	[tilespmem:s23+$0x1C0] =	vst.add.f32.msk $0xffff, v5  }
0x97: {  	[tilespmem:s23+$0x3390] =	vst.add.f32.msk $0xffff, v1  }
0x98: {  	[tilespmem:s23+$0x33A0] =	vst.add.f32.msk $0xffff, v6  }
0x99: {  	[tilespmem:s23+$0x33B0] =	vst.add.f32.msk $0xffff, v7;
	s23 =	sshra.s32 s24, $0x2;
	s24 =	sadd.s32 $0x100, s24  }
0x9a: {  	v1 =	vld [tilespmem:s23+$0x65C0]  }
0x9b: {  	v3 =	vld [tilespmem:s23+$0x6590]  }
0x9c: {  	v4 =	vld [tilespmem:s23+$0x65A0]  }
0x9d: {  	v5 =	vld [tilespmem:s23+$0x65B0]  }
0x9e: {  	v6 =	vld [tilespmem:s23+$0x65C0]  }
0x9f: {  	v7 =	vld [tilespmem:s23+$0x65A0]  }
0xa0: {  	v63 =	vld [tilespmem:s23+$0x65B0]  }
0xa1: {  	[tilespmem:s23+$0x33C0] =	vst.add.f32.msk $0xffff, v1  }
0xa2: {  	v1 =	vld [tilespmem:s23+$0x6590]  }
0xa3: {  	[tilespmem:s23+$0x190] =	vst.add.f32.msk $0xffff, v3  }
0xa4: {  	[tilespmem:s23+$0x1A0] =	vst.add.f32.msk $0xffff, v4  }
0xa5: {  	[tilespmem:s23+$0x1B0] =	vst.add.f32.msk $0xffff, v5  }
0xa6: {  	[tilespmem:s23+$0x1C0] =	vst.add.f32.msk $0xffff, v6  }
0xa7: {  	[tilespmem:s23+$0x33A0] =	vst.add.f32.msk $0xffff, v7  }
0xa8: {  	s22 =	sshll.u32 s22, $0x3;
	s21 =	sadd.s32 $0x1, s21;
	[tilespmem:s23+$0x33B0] =	vst.add.f32.msk $0xffff, v63  }
0xa9: {  	s22 =	sadd.s32 s2, s22;
	p0 =	sne.s32 s21, $0x40;
	[tilespmem:s23+$0x3390] =	vst.add.f32.msk $0xffff, v1  }
0xaa: {  	[hbm4b:s22+s3] =	stream.linear.scatter [tilespmem:s19], [sflag:$0x2], $0x6400, $0x38;
	[tilespmem:$0x9790] =	vst v63  }
.Ltmp5:
0xab: {  	_ = 	snop;
	(pc) =	sbr.rel @p0 .LBB2_2-.Ltmp5, $4  }
0xac: {  	_ =	swait.ge [sflag:s10], $0x6400  }
0xad: {  	v5 =	vld [tilespmem:$0x1FFD0]  }
0xae: {  	[sflag:s10] =	ssyncset.done $0x0;
	v6 =	vld [tilespmem:$0x1FFE0]  }
0xaf: {  	v4 =	vimm.s32 $0x0;
	v7 =	vld [tilespmem:$0x1FFF0];
	[sflag:s10] =	ssyncadd.s32 $0xFFFF9C00  }
0xb0: {  	s20 =	sadd.s32 $0x1, s20  }
0xb1: {  	p0 =	sne.s32 s20, s8  }
.Ltmp6:
0xb2: {  	_ = 	snop;
	(pc) =	sbr.rel @p0 .LBB2_1-.Ltmp6, $1  }
0xb3: {  	_ =	sdelay $0x3  }
0xb4: {  	_ =	sfence.sel $0x180000  }
0xb5: {  	[bflag:$0x0] =	sbarrier.arrive $0xFFFF  }
0xb6: {  	p0 =	sne.s32 s4, $0x0;
	_ =	strace $0x90000047  }
0xb7: {  	s0 =	sadd.s32 @!p0 $0x100000, s1;
	[bflag:$0x2] =	sbarrier.arrive $0xFFFF  }
0xb8: {  	[sflag:s0] =	ssyncadd.tile.s32 @!p0 $0x1;
	_ =	shalt  }
.Lfunc_end2:
_tile_overlayer_lowered:
.L_overlay_start_2:
0xb9: {  	(tag) =	ssettag $0x2  }
0xba: {  	s0 =	rddreg [dreg:$0x0];
	s2 =	stileid.u32  }
0xbb: {  	s1 =	rddreg [dreg:$0x1];
	p0 =	sne.s32 s2, $0x0  }
0xbc: {  	s3 =	rddreg [dreg:$0x2];
	[bflag:$0x3] =	sbarrier.arrive $0xFFFF;
	s2 =	simm.s32 @!p0 $0x1C02  }
0xbd: {  	[timem:s3], [sflag:s2] =	dma.local @!p0 [hbm:s0], s1  }
0xbe: {  	s0 =	simm.s32 @!p0 $0x2  }
0xbf: {  	_ =	swait.ge @!p0 [sflag:s0], s1  }
0xc0: {  	s1 =	ssub.s32 @!p0 $0x0, s1;
	[sflag:s0] =	ssyncset.done @!p0 $0x0  }
0xc1: {  	[sflag:s0] =	ssyncadd.s32 @!p0 s1  }
0xc2: {  	[bflag:$0x3] =	sbarrier.arrive $0xFFFF  }
0xc3: {  	_ =	shalt  }

// kernel: sparse-core-data-format-call.cloned.1.call-start
scs
called_computation_lowered:
.L_overlay_start_0:
0x0: {  	s2 =	sld [smem:$0x3FD9]  }
0x1: {  	s3 =	sld [smem:$0x3FFE];
	_ =	sdelay $0x1  }
0x2: {  	s1 =	srdreg.scid  }
0x3: {  	s0 =	sand.u32 $0x1, s1  }
0x4: {  	s18 =	sshll.u32 s0, $0xA;
	s2 =	sadd.s32 s3, s2  }
0x5: {  	s2 =	sadd.s32 s2, s18  }
0x6: {  	[smem:$0x3FC5] =	sst s2  }
0x7: {  	_ = 	snop  }
0x8: {  	s2 =	sld [smem:$0x3FD0];
	(tm) =	ssettm $0x1  }
0x9: {  	s19 =	sld [smem:$0x3FFB];
	_ =	sdelay $0x3  }
0xa: {  	_ =	strace s19  }
0xb: {  	s3 =	sld [smem:$0x3FFC];
	_ =	sdelay $0x3  }
0xc: {  	_ =	strace s3  }
0xd: {  	s3 =	sld [smem:$0x3FFD];
	_ =	sdelay $0x3  }
0xe: {  	_ =	strace s3  }
0xf: {  	_ =	strace $0x8FFFFFFF  }
0x10: {  	s20 =	sld [smem:$0x3FDB];
	_ =	sdelay $0x1  }
0x11: {  	s4 =	simm.s32 $_scs_section_size  }
0x12: {  	s5 =	simm.s32 $_size__tile_overlayer_lowered;
	s6 =	simm.s32 $_tile_overlayer_lowered  }
0x13: {  	s23 =	simm.s32 $0x1BFF;
	s22 =	sshll.u32 s6, $0x1;
	s3 =	sadd.s32 s4, s20  }
0x14: {  	s7 =	simm.s32 $0x0;
	s21 =	sshll.u32 s5, $0x1;
	s5 =	sadd.s32 s22, s3  }
0x15: {  	[timem:s7], [sflag:s23] =	dma.local [hbm:s5], s21  }
0x16: {  	_ =	swait.ge [sflag:s23], s21  }
0x17: {  	s4 =	ssub.s32 $0x0, s21;
	[sflag:s23] =	ssyncset.done $0x0  }
0x18: {  	[sflag:s23] =	ssyncadd.s32 s4;
	_ =	sdelay $0x1  }
0x19: {  	s24 =	simm.s32 $0x1B8B  }
0x1a: {  	_ =	swait.ge [sflag:s24], $0x1  }
0x1b: {  	[sflag:s24] =	ssyncset.done $0x0  }
0x1c: {  	s26 =	simm.s32 $0x1B8E;
	s25 =	sld [smem:$0x3FFE];
	[sflag:s24] =	ssyncadd.s32 $0xFFFFFFFF  }
0x1d: {  	s27 =	simm.s32 $execute0_lowered;
	[smem:$0x3FD2] =	sst s26  }
0x1e: {  	s5 =	sshll.u32 s27, $0x1;
	_ =	strace $0x80000049;
	[dreg:$0x1] =	wrdreg $0xFFFFFFFF  }
0x1f: {  	s28 =	simm.s32 $_size_execute0_lowered;
	s3 =	sadd.s32 s3, s5;
	[dreg:$0x0] =	wrdreg $0x0  }
0x20: {  	s5 =	sshll.u32 s28, $0x1;
	[dreg:$0x2] =	wrdreg s3  }
0x21: {  	[dreg:$0x3] =	wrdreg s5  }
0x22: {  	[dreg:$0x4] =	wrdreg $0xC0  }
0x23: {  	_ =	task [dreg:s7], $0x5FFFF  }
0x24: {  	[dreg:$0x1] =	wrdreg $0xFFFFFFFF  }
0x25: {  	[dreg:$0x0] =	wrdreg $0x60  }
0x26: {  	[dreg:$0x2] =	wrdreg s25  }
0x27: {  	[dreg:$0x3] =	wrdreg s2  }
0x28: {  	[dreg:$0x4] =	wrdreg $0x9  }
0x29: {  	_ =	task.clear_ibuf [dreg:s7], $0x5FFFF;
	_ =	strace $0x90000049  }
0x2a: {  	s29 =	simm.s32 $0x9;
	_ =	strace $0x8000004B  }
0x2b: {  	_ =	swait.ge [sflag:s29], $0x1  }
0x2c: {  	[sflag:s29] =	ssyncadd.s32 $0xFFFFFFFF  }
0x2d: {  	_ =	strace $0x9000004B  }
0x2e: {  	_ =	sfence  }
0x2f: {  	s30 =	sld [smem:$0x0];
	_ =	sdelay $0x2  }
0x30: {  	s31 =	sshll.u32 s1, $0xD;
	s1 =	sshrl.u32 s1, $0x2  }
0x31: {  	s3 =	sand.u32 $0x4000, s31;
	s1 =	sadd.s32 s1, s30  }
0x32: {  	s0 =	sor.u32 s3, s0;
	s1 =	sshll.u32 s1, $0x11  }
0x33: {  	s0 =	sor.u32 s1, s0  }
0x34: {  	s0 =	sadd.s32 $0x8F2B, s0  }
0x35: {  	[sflag:s0] =	ssyncadd.remote.s32 $0x1  }
0x36: {  	_ =	sfence.sel $0xFFFF  }
0x37: {  	[dreg:$0x0] =	wrdreg $0xFFFFFFFF;
	(pc) =	sbr.abs _section_cstart, $3  }
0x38: {  	[dreg:$0x1] =	wrdreg $0xFFFFFFFF  }
0x39: {  	_ =	task.clear_ibuf [dreg:s7], $0x2FFFF;
	_ =	strace $0x9FFFFFFF  }
0x3a: {  	(tm) =	ssettm $0x7FFFFFFF  }
0x3b: {  	_ =	shalt  }
tec
execute0_lowered:
.L_overlay_start_1:
0x0: {  	(tag) =	ssettag $0x1  }
0x1: {  	s0 =	srdreg.scid  }
0x2: {  	s1 =	sshll.u32 s0, $0x4  }
0x3: {  	s4 =	rddreg [dreg:$0x0];
	s0 =	stileid.u32;
	s1 =	sand.u32 $0x10, s1  }
0x4: {  	s2 =	rddreg [dreg:$0x1];
	s7 =	simm.s32 $0x1;
	s1 =	sor.u32 s0, s1  }
0x5: {  	s8 =	simm.s32 $0x2;
	s11 =	simm.s32 $0x0;
	s3 =	sshll.u32 s1, $0x7  }
0x6: {  	s10 =	simm.s32 $0x0;
	s4 =	sadd.s32 $0xA00, s4;
	s6 =	ssub.s32 $0xC8000, s3  }
.Ltmp0:
0x7: {  	s1 =	rddreg [dreg:$0x2];
	s5 =	sand.u32 $0xF80, s6;
	(pc) =	sbr.rel .LBB1_1-.Ltmp0, $4  }
0x8: {  	_ =	strace $0x8000004A;
	s9 =	smov.u32 s3;
	p0 =	sne.s32 s5, $0x0  }
0x9: {  	s6 =	sshrl.u32 s6, $0xC;
	s5 =	simm.s32 $0x1;
	s7 =	simm.s32 @!p0 $0x0  }
0xa: {  	[sflag:s5] =	ssyncpa.u1 $0x0;
	p0 =	por $0x0, $0x0;
	s6 =	sadd.s32 s7, s6  }
0xb: {  	[sflag:s8] =	ssyncpa.u1 $0x0;
	s8 =	simm.s32 $0x640000;
	s7 =	sadd.s32 $0x1, s6  }
.LBB1_4:
0xc: {  	s14 =	sshll.u32 s11, $0x3  }
0xd: {  	s30 =	sand.u32 $0x7F, s11;
	s15 =	sand.u32 $0xFFFFFC00, s14  }
0xe: {  	s11 =	sor.u32 s30, s15  }
0xf: {  	s15 =	smulhi.u32 $0x51EB851F, s11  }
0x10: {  	s14 =	smulhi.u32 $0x51EB851F, s14  }
0x11: {  	s15 =	sshrl.u32 s15, $0x12  }
0x12: {  	s14 =	sshrl.u32 s14, $0x12;
	s15 =	smul.u32 $0xC8000, s15  }
0x13: {  	s14 =	sand.u32 $0x3F, s14  }
0x14: {  	s14 =	smul.u32 $0x19000, s14;
	s11 =	ssub.s32 s11, s15  }
0x15: {  	[tilespmem:s13+$0x810 ss:$0x81] =	vst.msk $0xffff, v2;
	s15 =	sand.u32 $0x7, s11  }
0x16: {  	[tilespmem:s13+$0x1020 ss:$0x81] =	vst.msk $0xffff, v0;
	s14 =	sadd.s32 s2, s14;
	s11 =	sshrl.u32 s11, $0x3;
	s15 =	sshll.u32 s15, $0x12  }
0x17: {  	[tilespmem:s13+$0x0 ss:$0x81] =	vst.msk $0xffff, v1;
	s11 =	sadd.s32 s11, s14;
	s31 =	sor.u32 $0x400, s15  }
0x18: {  	[hbm4b:s11+s31] =	stream.strided.scatter [tilespmem:s12], [sflag:$0x2], $0x2000, s8, s31, $0x20;
	[tilespmem:$0x8080] =	vst v63  }
.LBB1_5:
0x19: {  	s13 =	sadd.s32 $0x1000, s9  }
0x1a: {  	p2 =	sgt.s32 s13, $0xC7FFF  }
0x1b: {  	s13 =	smov.u32 @p2 s3;
	p2 =	sne.s32 s10, s7  }
.Ltmp1:
0x1c: {  	p1 =	slt.u32 s10, $0x2;
	(pc) =	sbr.rel @!p2 .LBB1_6-.Ltmp1, $4  }
0x1d: {  	s12 =	simm.s32 @!p1 $0x2  }
0x1e: {  	s14 =	sadd.s32 $0x1, s10;
	_ =	swait.ge @!p1 [sflag:s12], $0x2000  }
0x1f: {  	s11 =	smov.u32 s9;
	p0 =	por !p0, !p0;
	[sflag:s12] =	ssyncset.done @!p1 $0x0  }
0x20: {  	s10 =	smov.u32 s14;
	s9 =	smov.u32 s13;
	[sflag:s12] =	ssyncadd.s32 @!p1 $0xFFFFE000  }
.LBB1_1:
0x21: {  	p1 =	sge.u32 s10, s6  }
0x22: {  	s12 =	sand.u32 @!p1 $0x1FFFFFF, s9  }
0x23: {  	s13 =	smulhi.u32 @!p1 $0x147AE15, s12;
	_ =	sdelay $0x1  }
0x24: {  	s13 =	sshrl.u32 @!p1 s13, $0xC  }
0x25: {  	s13 =	smul.u32 @!p1 $0xC8000, s13;
	_ =	sdelay $0x1  }
0x26: {  	s31 =	sadd.s32 $0xFFFFFFFF, s10;
	s14 =	sxor.u32 @!p1 $0xFFFFFFFF, s10;
	s12 =	ssub.s32 @!p1 s12, s13  }
0x27: {  	s15 =	simm.s32 @!p1 $0x80;
	s14 =	sshll.u32 @!p1 s14, $0xD;
	s12 =	sshll.u32 @!p1 s12, $0x4  }
0x28: {  	s13 =	sand.u32 @!p1 $0x2000, s14;
	s14 =	simm.s32 @!p1 $0x40;
	s12 =	sadd.s32 @!p1 s4, s12  }
0x29: {  	[tilespmem:s13], [sflag:$0x1] =	stream.strided.gather @!p1 [hbm4b:s12+s14], $0x2000, s15, s14, $0x38;
	[tilespmem:$0x8080] =	vst v63  }
0x2a: {  	p1 =	sge.u32 s31, s6  }
.Ltmp2:
0x2b: {  	_ = 	snop;
	(pc) =	sbr.rel @p1 .LBB1_5-.Ltmp2, $1  }
0x2c: {  	_ =	sdelay $0x3  }
0x2d: {  	s12 =	simm.s32 $0x1  }
0x2e: {  	_ =	swait.ge [sflag:s5], $0x2000;
	s12 =	simm.s32 @!p0 $0x0  }
0x2f: {  	[sflag:s5] =	ssyncset.done $0x0;
	s13 =	sshll.u32 s12, $0xD  }
0x30: {  	[sflag:s5] =	ssyncadd.s32 $0xFFFFE000;
	s16 =	sor.u32 $0x20, s13  }
0x31: {  	s12 =	smul.u32 $0x8100, s12;
	v3 =	vld [tilespmem:s16+$0x10]  }
0x32: {  	s30 =	sand.u32 $0x1, s10;
	v2 =	vld [tilespmem:s16+$0xFFFFFFF0]  }
0x33: {  	s13 =	smul.u32 $0x8100, s30;
	s12 =	sshrl.u32 s12, $0x2;
	v0 =	vld [tilespmem:s16+$0x0]  }
0x34: {  	v1 =	vld [tilespmem:s16+$0xFFFFFFE0];
	s14 =	sor.u32 $0x4000, s12  }
0x35: {  	s31 =	sshrl.u32 s13, $0x2;
	s13 =	sadd.s32 $0x0, s14  }
0x36: {  	s15 =	simm.s32 $0x4;
	s16 =	sadd.s32 $0x40, s16;
	s12 =	sor.u32 $0x4000, s31;
	[tilespmem:s13+$0x1830 ss:$0x81] =	vst.msk $0xffff, v3  }
.LBB1_3:
0x37: {  	v3 =	vld [tilespmem:s16+$0x10];
	p1 =	sne.s32 s15, $0x1FC;
	[tilespmem:s13+$0x810 ss:$0x81] =	vst.msk $0xffff, v2;
	s17 =	smov.u32 s15;
	s15 =	sadd.s32 $0x4, s15  }
.Ltmp3:
0x38: {  	v2 =	vld [tilespmem:s16+$0xFFFFFFF0];
	[tilespmem:s13+$0x1020 ss:$0x81] =	vst.msk $0xffff, v0;
	(pc) =	sbr.rel @p1 .LBB1_3-.Ltmp3, $4  }
0x39: {  	v0 =	vld [tilespmem:s16+$0x0];
	[tilespmem:s13+$0x0 ss:$0x81] =	vst.msk $0xffff, v1  }
0x3a: {  	s13 =	sshra.s32 s17, $0x2;
	v1 =	vld [tilespmem:s16+$0xFFFFFFE0]  }
0x3b: {  	s13 =	sadd.s32 s13, s14  }
0x3c: {  	s16 =	sadd.s32 $0x40, s16;
	[tilespmem:s13+$0x1830 ss:$0x81] =	vst.msk $0xffff, v3  }
.Ltmp4:
0x3d: {  	_ = 	snop;
	(pc) =	sbr.rel .LBB1_4-.Ltmp4, $1  }
0x3e: {  	_ =	sdelay $0x3  }
.LBB1_6:
0x3f: {  	_ =	sfence.sel $0x180000  }
0x40: {  	s2 =	simm.s32 $0x1;
	[bflag:$0x0] =	sbarrier.arrive $0xFFFF  }
0x41: {  	s31 =	simm.s32 $0x2;
	[sflag:s2] =	ssyncpa.u1 $0x1  }
0x42: {  	[sflag:s31] =	ssyncpa.u1 $0x1  }
0x43: {  	p0 =	sne.s32 s0, $0x0;
	_ =	strace $0x9000004A  }
0x44: {  	s0 =	sadd.s32 @!p0 $0x100000, s1;
	[bflag:$0x2] =	sbarrier.arrive $0xFFFF  }
0x45: {  	[sflag:s0] =	ssyncadd.tile.s32 @!p0 $0x1;
	_ =	shalt  }
.Lfunc_end1:
_tile_overlayer_lowered:
.L_overlay_start_2:
0x46: {  	(tag) =	ssettag $0x2  }
0x47: {  	s0 =	rddreg [dreg:$0x0];
	s2 =	stileid.u32  }
0x48: {  	s1 =	rddreg [dreg:$0x1];
	p0 =	sne.s32 s2, $0x0  }
0x49: {  	s3 =	rddreg [dreg:$0x2];
	[bflag:$0x3] =	sbarrier.arrive $0xFFFF;
	s2 =	simm.s32 @!p0 $0x1C01  }
0x4a: {  	[timem:s3], [sflag:s2] =	dma.local @!p0 [hbm:s0], s1  }
0x4b: {  	s0 =	simm.s32 @!p0 $0x1  }
0x4c: {  	_ =	swait.ge @!p0 [sflag:s0], s1  }
0x4d: {  	s1 =	ssub.s32 @!p0 $0x0, s1;
	[sflag:s0] =	ssyncset.done @!p0 $0x0  }
0x4e: {  	[sflag:s0] =	ssyncadd.s32 @!p0 s1  }
0x4f: {  	[bflag:$0x3] =	sbarrier.arrive $0xFFFF  }
0x50: {  	_ =	shalt  }

</sc_bundles>
